<compile_context>
chip_gen: v7x
topology: tpu7x:2x2x1
jax: 0.10.2.dev20260603
libtpu: 0.0.44.dev20260713+nightly
codegen_flags: <defaults>
</compile_context>

<pallas_src>
import functools
import jax
import jax.numpy as jnp
from jax import lax
from jax.experimental import pallas as pl
from jax.experimental.pallas import tpu as pltpu
from jax.experimental.pallas import tpu_sc as plsc

_B = 1048576
_NUM_NEURONS = 7
_RAM_SIZE = 256
_NC, _NS, _L = 2, 16, 16
_NW = _NC * _NS
_BPW = _B // _NW
_C = 16384
_NCHUNK = _BPW // _C


def _body(a_hbm, b_hbm, ram_hbm, out_hbm, a_v, b_v, out_v, ram_v, lut_v,
          sa0, sa1, sb0, sb1, so0, so1):
    wid = lax.axis_index("s") * _NC + lax.axis_index("c")
    base = wid * _BPW
    sa = (sa0, sa1)
    sb = (sb0, sb1)
    so = (so0, so1)

    def start_in(g):
        s = g % 2
        ha = pltpu.async_copy(a_hbm.at[pl.ds(base + g * _C, _C)], a_v.at[s], sa[s])
        hb = pltpu.async_copy(b_hbm.at[pl.ds(base + g * _C, _C)], b_v.at[s], sb[s])
        return ha, hb

    inflight = {0: start_in(0)}

    pltpu.sync_copy(ram_hbm, ram_v)
    for j in range(_RAM_SIZE // _L):
        acc = ram_v[0, pl.ds(j * _L, _L)] * 64.0
        for i in range(1, _NUM_NEURONS):
            w = float(1 << (_NUM_NEURONS - 1 - i))
            acc = acc + ram_v[i, pl.ds(j * _L, _L)] * w
        lut_v[pl.ds(j * _L, _L)] = acc

    out_h = {}
    for g in range(_NCHUNK):
        s = g % 2
        ha, hb = inflight.pop(g)
        ha.wait()
        hb.wait()
        if g + 1 < _NCHUNK:
            inflight[g + 1] = start_in(g + 1)
        if g - 2 >= 0:
            out_h.pop(g - 2).wait()

        @plsc.parallel_loop(0, _C, step=_L, unroll=4)
        def _gather(o):
            addr = a_v[s, pl.ds(o, _L)] * 16 + b_v[s, pl.ds(o, _L)]
            out_v[s, pl.ds(o, _L)] = plsc.load_gather(lut_v, [addr])

        out_h[g] = pltpu.async_copy(
            out_v.at[s], out_hbm.at[pl.ds(base + g * _C, _C)], so[s])
    for g in out_h:
        out_h[g].wait()


@jax.jit
def kernel(a_digits, b_digits, mult_ram):
    mesh = plsc.VectorSubcoreMesh(core_axis_name="c", subcore_axis_name="s")
    return pl.kernel(
        _body,
        out_type=jax.ShapeDtypeStruct((_B,), jnp.float32),
        mesh=mesh,
        scratch_types=[
            pltpu.VMEM((2, _C), jnp.int32),
            pltpu.VMEM((2, _C), jnp.int32),
            pltpu.VMEM((2, _C), jnp.float32),
            pltpu.VMEM((_NUM_NEURONS, _RAM_SIZE), jnp.float32),
            pltpu.VMEM((_RAM_SIZE,), jnp.float32),
            pltpu.SemaphoreType.DMA,
            pltpu.SemaphoreType.DMA,
            pltpu.SemaphoreType.DMA,
            pltpu.SemaphoreType.DMA,
            pltpu.SemaphoreType.DMA,
            pltpu.SemaphoreType.DMA,
        ],
        compiler_params=pltpu.CompilerParams(needs_layout_passes=False),
    )(a_digits, b_digits, mult_ram)

# --- scband reference (transcript-rebuilt; emitter-appended) ---
"""Pipeline reference for scband-decimal-multiplier-25383256719718 (READ-ONLY COPY).

The authoritative reference and input builder live on the scoring server;
editing this copy changes nothing except your own understanding.
"""

import jax, jax.numpy as jnp
import numpy as np

B = 1048576
NUM_NEURONS = 7  # output bits of the digit multiplier (products 0..81 fit in 7 bits)
RAM_SIZE = 256   # 2^8 addresses (total_input_bits = 8: 4 bits of a, 4 bits of b)


def setup_inputs(seed: int = 0) -> dict:
    key = jax.random.key(seed)
    k1, k2, k3 = jax.random.split(key, 3)
    a_digits = jax.random.randint(k1, (B,), 0, 10, dtype=jnp.int32)
    b_digits = jax.random.randint(k2, (B,), 0, 10, dtype=jnp.int32)
    # Learned RAM contents for the digit multiplier (RAMLayer with 7 neurons,
    # 8 address bits each). After training these hold the output bits of a*b;
    # here we materialize them as float32 so gradients can flow in the bwd test.
    mult_ram = jax.random.uniform(k3, (NUM_NEURONS, RAM_SIZE), dtype=jnp.float32)
    return {"a_digits": a_digits, "b_digits": b_digits, "mult_ram": mult_ram}


def reference(a_digits, b_digits, mult_ram):
    # Faithful translation of LearnedDigitMultiplier.forward, batched.
    # Original builds inp bits [a3,a2,a1,a0,b3,b2,b1,b0] (MSB first); the RAM
    # address formed from those bits is addr = (a << 4) | b.
    addr = a_digits * 16 + b_digits  # int32[B], values in [0, 160) < 256
    # RAM lookup: one gather per neuron -> [B, NUM_NEURONS]
    bits = jnp.take(mult_ram, addr, axis=1).T  # float32[B, 7]
    # Decode: result = sum(out[i] << (6 - i)). Original thresholds to hard
    # bits via .item(); we use the soft (float) readout weighted by powers of
    # two so the op stays a pure gather + tiny matvec.
    weights = jnp.asarray([float(1 << (6 - i)) for i in range(NUM_NEURONS)], dtype=jnp.float32)
    product = bits @ weights  # float32[B]
    return product

if __name__ == "__main__":
    import jax
    _d = setup_inputs()
    print(jax.jit(kernel)(*tuple(_d.values())))

</pallas_src>

<mosaic_0001>
#map = affine_map<(d0, d1) -> (0)>
#map1 = affine_map<(d0, d1) -> (0, 0)>
module attributes {stable_mosaic.version = 14 : i64} {
  func.func @_body(%arg0: i32, %arg1: i32, %arg2: memref<1048576xi32, #tpu.memory_space<hbm>>, %arg3: memref<1048576xi32, #tpu.memory_space<hbm>>, %arg4: memref<7x256xf32, #tpu.memory_space<hbm>>, %arg5: memref<1048576xf32, #tpu.memory_space<hbm>>, %arg6: memref<2x16384xi32, #tpu.memory_space<vmem>>, %arg7: memref<2x16384xi32, #tpu.memory_space<vmem>>, %arg8: memref<2x16384xf32, #tpu.memory_space<vmem>>, %arg9: memref<7x256xf32, #tpu.memory_space<vmem>>, %arg10: memref<256xf32, #tpu.memory_space<vmem>>, %arg11: memref<!tpu.dma_semaphore, #tpu.memory_space<semaphore_mem>>, %arg12: memref<!tpu.dma_semaphore, #tpu.memory_space<semaphore_mem>>, %arg13: memref<!tpu.dma_semaphore, #tpu.memory_space<semaphore_mem>>, %arg14: memref<!tpu.dma_semaphore, #tpu.memory_space<semaphore_mem>>, %arg15: memref<!tpu.dma_semaphore, #tpu.memory_space<semaphore_mem>>, %arg16: memref<!tpu.dma_semaphore, #tpu.memory_space<semaphore_mem>>) attributes {dimension_semantics = [#tpu.dimension_semantics<core_parallel>, #tpu.dimension_semantics<subcore_parallel>], iteration_bounds = array<i64: 2, 16>, scalar_prefetch = 0 : i64, scratch_operands = 11 : i64, tpu.core_type = #tpu.core_type<sc_vector_subcore>, window_params = [{transform_indices = #map}, {transform_indices = #map}, {transform_indices = #map1}, {transform_indices = #map}]} {
    %mul3A = arith.constant 2 : i32
    %mul3A_0 = arith.muli %arg1, %mul3A : i32
    %add3A = arith.addi %mul3A_0, %arg0 : i32
    %mul3A_1 = arith.constant 32768 : i32
    %mul3A_2 = arith.muli %add3A, %mul3A_1 : i32
    %add3A_3 = arith.constant 0 : i32
    %add3A_4 = arith.addi %mul3A_2, %add3A_3 : i32
    %dma_start3A = arith.constant 0 : i32
    %dma_start3A_5 = arith.constant 0 : i32
    %dma_start3A_6 = tpu.memref_slice %arg6[%dma_start3A, %dma_start3A_5] : memref<2x16384xi32, #tpu.memory_space<vmem>> -> memref<1x16384xi32, #tpu.memory_space<vmem>>
    %dma_start3A_7 = tpu.memref_squeeze %dma_start3A_6 : memref<1x16384xi32, #tpu.memory_space<vmem>> -> memref<16384xi32, #tpu.memory_space<vmem>>
    %dma_start3A_8 = tpu.memref_slice %arg2[%add3A_4] : memref<1048576xi32, #tpu.memory_space<hbm>> -> memref<16384xi32, #tpu.memory_space<hbm>>
    %dma_start3A_9 = arith.constant 0 : i32
    %dma_start3A_10 = tpu.memref_slice %arg6[%dma_start3A, %dma_start3A_9] : memref<2x16384xi32, #tpu.memory_space<vmem>> -> memref<1x16384xi32, #tpu.memory_space<vmem>>
    %dma_start3A_11 = tpu.memref_squeeze %dma_start3A_10 : memref<1x16384xi32, #tpu.memory_space<vmem>> -> memref<16384xi32, #tpu.memory_space<vmem>>
    %dma_start3A_12 = tpu.memref_slice %arg2[%add3A_4] : memref<1048576xi32, #tpu.memory_space<hbm>> -> memref<16384xi32, #tpu.memory_space<hbm>>
    tpu.enqueue_dma source(%dma_start3A_12 : memref<16384xi32, #tpu.memory_space<hbm>>) target(%dma_start3A_11 : memref<16384xi32, #tpu.memory_space<vmem>>) target_semaphore(%arg11 : memref<!tpu.dma_semaphore, #tpu.memory_space<semaphore_mem>>)
    %add3A_13 = arith.constant 0 : i32
    %add3A_14 = arith.addi %mul3A_2, %add3A_13 : i32
    %dma_start3A_15 = arith.constant 0 : i32
    %dma_start3A_16 = arith.constant 0 : i32
    %dma_start3A_17 = tpu.memref_slice %arg7[%dma_start3A_15, %dma_start3A_16] : memref<2x16384xi32, #tpu.memory_space<vmem>> -> memref<1x16384xi32, #tpu.memory_space<vmem>>
    %dma_start3A_18 = tpu.memref_squeeze %dma_start3A_17 : memref<1x16384xi32, #tpu.memory_space<vmem>> -> memref<16384xi32, #tpu.memory_space<vmem>>
    %dma_start3A_19 = tpu.memref_slice %arg3[%add3A_14] : memref<1048576xi32, #tpu.memory_space<hbm>> -> memref<16384xi32, #tpu.memory_space<hbm>>
    %dma_start3A_20 = arith.constant 0 : i32
    %dma_start3A_21 = tpu.memref_slice %arg7[%dma_start3A_15, %dma_start3A_20] : memref<2x16384xi32, #tpu.memory_space<vmem>> -> memref<1x16384xi32, #tpu.memory_space<vmem>>
    %dma_start3A_22 = tpu.memref_squeeze %dma_start3A_21 : memref<1x16384xi32, #tpu.memory_space<vmem>> -> memref<16384xi32, #tpu.memory_space<vmem>>
    %dma_start3A_23 = tpu.memref_slice %arg3[%add3A_14] : memref<1048576xi32, #tpu.memory_space<hbm>> -> memref<16384xi32, #tpu.memory_space<hbm>>
    tpu.enqueue_dma source(%dma_start3A_23 : memref<16384xi32, #tpu.memory_space<hbm>>) target(%dma_start3A_22 : memref<16384xi32, #tpu.memory_space<vmem>>) target_semaphore(%arg13 : memref<!tpu.dma_semaphore, #tpu.memory_space<semaphore_mem>>)
    "tpu.region"() ({
      %run_scoped3A = tpu.sem_alloc : memref<!tpu.dma_semaphore, #tpu.memory_space<semaphore_mem>>
      tpu.enqueue_dma source(%arg4 : memref<7x256xf32, #tpu.memory_space<hbm>>) target(%arg9 : memref<7x256xf32, #tpu.memory_space<vmem>>) target_semaphore(%run_scoped3A : memref<!tpu.dma_semaphore, #tpu.memory_space<semaphore_mem>>)
      tpu.wait_dma2 semaphore(%run_scoped3A : memref<!tpu.dma_semaphore, #tpu.memory_space<semaphore_mem>>) src(%arg4 : memref<7x256xf32, #tpu.memory_space<hbm>>) dst(%arg9 : memref<7x256xf32, #tpu.memory_space<vmem>>)
      tpu.yield
    }) : () -> ()
    %get3A = arith.constant 0 : i32
    %get3A_24 = arith.index_cast %get3A : i32 to index
    %get3A_25 = arith.constant 0 : index
    %get3A_26 = tpu.vector_load %arg9[%get3A_24, %get3A_25] {strides = array<i32>} : memref<7x256xf32, #tpu.memory_space<vmem>>, vector<16xf32>,
    %mul3A_27 = arith.constant 6.400000e+01 : f32
    %mul3A_28 = vector.broadcast %mul3A_27 : f32 to vector<16xf32>
    %mul3A_29 = arith.mulf %get3A_26, %mul3A_28 : vector<16xf32>
    %get3A_30 = arith.constant 1 : i32
    %get3A_31 = arith.index_cast %get3A_30 : i32 to index
    %get3A_32 = arith.constant 0 : index
    %get3A_33 = tpu.vector_load %arg9[%get3A_31, %get3A_32] {strides = array<i32>} : memref<7x256xf32, #tpu.memory_space<vmem>>, vector<16xf32>,
    %mul3A_34 = arith.constant 3.200000e+01 : f32
    %mul3A_35 = vector.broadcast %mul3A_34 : f32 to vector<16xf32>
    %mul3A_36 = arith.mulf %get3A_33, %mul3A_35 : vector<16xf32>
    %add3A_37 = arith.addf %mul3A_29, %mul3A_36 : vector<16xf32>
    %get3A_38 = arith.constant 2 : i32
    %get3A_39 = arith.index_cast %get3A_38 : i32 to index
    %get3A_40 = arith.constant 0 : index
    %get3A_41 = tpu.vector_load %arg9[%get3A_39, %get3A_40] {strides = array<i32>} : memref<7x256xf32, #tpu.memory_space<vmem>>, vector<16xf32>,
    %mul3A_42 = arith.constant 1.600000e+01 : f32
    %mul3A_43 = vector.broadcast %mul3A_42 : f32 to vector<16xf32>
    %mul3A_44 = arith.mulf %get3A_41, %mul3A_43 : vector<16xf32>
    %add3A_45 = arith.addf %add3A_37, %mul3A_44 : vector<16xf32>
    %get3A_46 = arith.constant 3 : i32
    %get3A_47 = arith.index_cast %get3A_46 : i32 to index
    %get3A_48 = arith.constant 0 : index
    %get3A_49 = tpu.vector_load %arg9[%get3A_47, %get3A_48] {strides = array<i32>} : memref<7x256xf32, #tpu.memory_space<vmem>>, vector<16xf32>,
    %mul3A_50 = arith.constant 8.000000e+00 : f32
    %mul3A_51 = vector.broadcast %mul3A_50 : f32 to vector<16xf32>
    %mul3A_52 = arith.mulf %get3A_49, %mul3A_51 : vector<16xf32>
    %add3A_53 = arith.addf %add3A_45, %mul3A_52 : vector<16xf32>
    %get3A_54 = arith.constant 4 : i32
    %get3A_55 = arith.index_cast %get3A_54 : i32 to index
    %get3A_56 = arith.constant 0 : index
    %get3A_57 = tpu.vector_load %arg9[%get3A_55, %get3A_56] {strides = array<i32>} : memref<7x256xf32, #tpu.memory_space<vmem>>, vector<16xf32>,
    %mul3A_58 = arith.constant 4.000000e+00 : f32
    %mul3A_59 = vector.broadcast %mul3A_58 : f32 to vector<16xf32>
    %mul3A_60 = arith.mulf %get3A_57, %mul3A_59 : vector<16xf32>
    %add3A_61 = arith.addf %add3A_53, %mul3A_60 : vector<16xf32>
    %get3A_62 = arith.constant 5 : i32
    %get3A_63 = arith.index_cast %get3A_62 : i32 to index
    %get3A_64 = arith.constant 0 : index
    %get3A_65 = tpu.vector_load %arg9[%get3A_63, %get3A_64] {strides = array<i32>} : memref<7x256xf32, #tpu.memory_space<vmem>>, vector<16xf32>,
    %mul3A_66 = arith.constant 2.000000e+00 : f32
    %mul3A_67 = vector.broadcast %mul3A_66 : f32 to vector<16xf32>
    %mul3A_68 = arith.mulf %get3A_65, %mul3A_67 : vector<16xf32>
    %add3A_69 = arith.addf %add3A_61, %mul3A_68 : vector<16xf32>
    %get3A_70 = arith.constant 6 : i32
    %get3A_71 = arith.index_cast %get3A_70 : i32 to index
    %get3A_72 = arith.constant 0 : index
    %get3A_73 = tpu.vector_load %arg9[%get3A_71, %get3A_72] {strides = array<i32>} : memref<7x256xf32, #tpu.memory_space<vmem>>, vector<16xf32>,
    %mul3A_74 = arith.constant 1.000000e+00 : f32
    %mul3A_75 = vector.broadcast %mul3A_74 : f32 to vector<16xf32>
    %mul3A_76 = arith.mulf %get3A_73, %mul3A_75 : vector<16xf32>
    %add3A_77 = arith.addf %add3A_69, %mul3A_76 : vector<16xf32>
    %swap3A = arith.constant 0 : index
    %swap3A_78 = tpu.vector_load %arg10[%swap3A] {strides = array<i32>} : memref<256xf32, #tpu.memory_space<vmem>>, vector<16xf32>,
    tpu.vector_store %arg10[%swap3A], %add3A_77 {strides = array<i32>} : memref<256xf32, #tpu.memory_space<vmem>>, vector<16xf32>,
    %get3A_79 = arith.constant 0 : i32
    %get3A_80 = arith.index_cast %get3A_79 : i32 to index
    %get3A_81 = arith.constant 16 : index
    %get3A_82 = tpu.vector_load %arg9[%get3A_80, %get3A_81] {strides = array<i32>} : memref<7x256xf32, #tpu.memory_space<vmem>>, vector<16xf32>,
    %mul3A_83 = arith.constant 6.400000e+01 : f32
    %mul3A_84 = vector.broadcast %mul3A_83 : f32 to vector<16xf32>
    %mul3A_85 = arith.mulf %get3A_82, %mul3A_84 : vector<16xf32>
    %get3A_86 = arith.constant 1 : i32
    %get3A_87 = arith.index_cast %get3A_86 : i32 to index
    %get3A_88 = arith.constant 16 : index
    %get3A_89 = tpu.vector_load %arg9[%get3A_87, %get3A_88] {strides = array<i32>} : memref<7x256xf32, #tpu.memory_space<vmem>>, vector<16xf32>,
    %mul3A_90 = arith.constant 3.200000e+01 : f32
    %mul3A_91 = vector.broadcast %mul3A_90 : f32 to vector<16xf32>
    %mul3A_92 = arith.mulf %get3A_89, %mul3A_91 : vector<16xf32>
    %add3A_93 = arith.addf %mul3A_85, %mul3A_92 : vector<16xf32>
    %get3A_94 = arith.constant 2 : i32
    %get3A_95 = arith.index_cast %get3A_94 : i32 to index
    %get3A_96 = arith.constant 16 : index
    %get3A_97 = tpu.vector_load %arg9[%get3A_95, %get3A_96] {strides = array<i32>} : memref<7x256xf32, #tpu.memory_space<vmem>>, vector<16xf32>,
    %mul3A_98 = arith.constant 1.600000e+01 : f32
    %mul3A_99 = vector.broadcast %mul3A_98 : f32 to vector<16xf32>
    %mul3A_100 = arith.mulf %get3A_97, %mul3A_99 : vector<16xf32>
    %add3A_101 = arith.addf %add3A_93, %mul3A_100 : vector<16xf32>
    %get3A_102 = arith.constant 3 : i32
    %get3A_103 = arith.index_cast %get3A_102 : i32 to index
    %get3A_104 = arith.constant 16 : index
    %get3A_105 = tpu.vector_load %arg9[%get3A_103, %get3A_104] {strides = array<i32>} : memref<7x256xf32, #tpu.memory_space<vmem>>, vector<16xf32>,
    %mul3A_106 = arith.constant 8.000000e+00 : f32
    %mul3A_107 = vector.broadcast %mul3A_106 : f32 to vector<16xf32>
    %mul3A_108 = arith.mulf %get3A_105, %mul3A_107 : vector<16xf32>
    %add3A_109 = arith.addf %add3A_101, %mul3A_108 : vector<16xf32>
    %get3A_110 = arith.constant 4 : i32
    %get3A_111 = arith.index_cast %get3A_110 : i32 to index
    %get3A_112 = arith.constant 16 : index
    %get3A_113 = tpu.vector_load %arg9[%get3A_111, %get3A_112] {strides = array<i32>} : memref<7x256xf32, #tpu.memory_space<vmem>>, vector<16xf32>,
    %mul3A_114 = arith.constant 4.000000e+00 : f32
    %mul3A_115 = vector.broadcast %mul3A_114 : f32 to vector<16xf32>
    %mul3A_116 = arith.mulf %get3A_113, %mul3A_115 : vector<16xf32>
    %add3A_117 = arith.addf %add3A_109, %mul3A_116 : vector<16xf32>
    %get3A_118 = arith.constant 5 : i32
    %get3A_119 = arith.index_cast %get3A_118 : i32 to index
    %get3A_120 = arith.constant 16 : index
    %get3A_121 = tpu.vector_load %arg9[%get3A_119, %get3A_120] {strides = array<i32>} : memref<7x256xf32, #tpu.memory_space<vmem>>, vector<16xf32>,
    %mul3A_122 = arith.constant 2.000000e+00 : f32
    %mul3A_123 = vector.broadcast %mul3A_122 : f32 to vector<16xf32>
    %mul3A_124 = arith.mulf %get3A_121, %mul3A_123 : vector<16xf32>
    %add3A_125 = arith.addf %add3A_117, %mul3A_124 : vector<16xf32>
    %get3A_126 = arith.constant 6 : i32
    %get3A_127 = arith.index_cast %get3A_126 : i32 to index
    %get3A_128 = arith.constant 16 : index
    %get3A_129 = tpu.vector_load %arg9[%get3A_127, %get3A_128] {strides = array<i32>} : memref<7x256xf32, #tpu.memory_space<vmem>>, vector<16xf32>,
    %mul3A_130 = arith.constant 1.000000e+00 : f32
    %mul3A_131 = vector.broadcast %mul3A_130 : f32 to vector<16xf32>
    %mul3A_132 = arith.mulf %get3A_129, %mul3A_131 : vector<16xf32>
    %add3A_133 = arith.addf %add3A_125, %mul3A_132 : vector<16xf32>
    %swap3A_134 = arith.constant 16 : index
    %swap3A_135 = tpu.vector_load %arg10[%swap3A_134] {strides = array<i32>} : memref<256xf32, #tpu.memory_space<vmem>>, vector<16xf32>,
    tpu.vector_store %arg10[%swap3A_134], %add3A_133 {strides = array<i32>} : memref<256xf32, #tpu.memory_space<vmem>>, vector<16xf32>,
    %get3A_136 = arith.constant 0 : i32
    %get3A_137 = arith.index_cast %get3A_136 : i32 to index
    %get3A_138 = arith.constant 32 : index
    %get3A_139 = tpu.vector_load %arg9[%get3A_137, %get3A_138] {strides = array<i32>} : memref<7x256xf32, #tpu.memory_space<vmem>>, vector<16xf32>,
    %mul3A_140 = arith.constant 6.400000e+01 : f32
    %mul3A_141 = vector.broadcast %mul3A_140 : f32 to vector<16xf32>
    %mul3A_142 = arith.mulf %get3A_139, %mul3A_141 : vector<16xf32>
    %get3A_143 = arith.constant 1 : i32
    %get3A_144 = arith.index_cast %get3A_143 : i32 to index
    %get3A_145 = arith.constant 32 : index
    %get3A_146 = tpu.vector_load %arg9[%get3A_144, %get3A_145] {strides = array<i32>} : memref<7x256xf32, #tpu.memory_space<vmem>>, vector<16xf32>,
    %mul3A_147 = arith.constant 3.200000e+01 : f32
    %mul3A_148 = vector.broadcast %mul3A_147 : f32 to vector<16xf32>
    %mul3A_149 = arith.mulf %get3A_146, %mul3A_148 : vector<16xf32>
    %add3A_150 = arith.addf %mul3A_142, %mul3A_149 : vector<16xf32>
    %get3A_151 = arith.constant 2 : i32
    %get3A_152 = arith.index_cast %get3A_151 : i32 to index
    %get3A_153 = arith.constant 32 : index
    %get3A_154 = tpu.vector_load %arg9[%get3A_152, %get3A_153] {strides = array<i32>} : memref<7x256xf32, #tpu.memory_space<vmem>>, vector<16xf32>,
    %mul3A_155 = arith.constant 1.600000e+01 : f32
    %mul3A_156 = vector.broadcast %mul3A_155 : f32 to vector<16xf32>
    %mul3A_157 = arith.mulf %get3A_154, %mul3A_156 : vector<16xf32>
    %add3A_158 = arith.addf %add3A_150, %mul3A_157 : vector<16xf32>
    %get3A_159 = arith.constant 3 : i32
    %get3A_160 = arith.index_cast %get3A_159 : i32 to index
    %get3A_161 = arith.constant 32 : index
    %get3A_162 = tpu.vector_load %arg9[%get3A_160, %get3A_161] {strides = array<i32>} : memref<7x256xf32, #tpu.memory_space<vmem>>, vector<16xf32>,
    %mul3A_163 = arith.constant 8.000000e+00 : f32
    %mul3A_164 = vector.broadcast %mul3A_163 : f32 to vector<16xf32>
    %mul3A_165 = arith.mulf %get3A_162, %mul3A_164 : vector<16xf32>
    %add3A_166 = arith.addf %add3A_158, %mul3A_165 : vector<16xf32>
    %get3A_167 = arith.constant 4 : i32
    %get3A_168 = arith.index_cast %get3A_167 : i32 to index
    %get3A_169 = arith.constant 32 : index
    %get3A_170 = tpu.vector_load %arg9[%get3A_168, %get3A_169] {strides = array<i32>} : memref<7x256xf32, #tpu.memory_space<vmem>>, vector<16xf32>,
    %mul3A_171 = arith.constant 4.000000e+00 : f32
    %mul3A_172 = vector.broadcast %mul3A_171 : f32 to vector<16xf32>
    %mul3A_173 = arith.mulf %get3A_170, %mul3A_172 : vector<16xf32>
    %add3A_174 = arith.addf %add3A_166, %mul3A_173 : vector<16xf32>
    %get3A_175 = arith.constant 5 : i32
    %get3A_176 = arith.index_cast %get3A_175 : i32 to index
    %get3A_177 = arith.constant 32 : index
    %get3A_178 = tpu.vector_load %arg9[%get3A_176, %get3A_177] {strides = array<i32>} : memref<7x256xf32, #tpu.memory_space<vmem>>, vector<16xf32>,
    %mul3A_179 = arith.constant 2.000000e+00 : f32
    %mul3A_180 = vector.broadcast %mul3A_179 : f32 to vector<16xf32>
    %mul3A_181 = arith.mulf %get3A_178, %mul3A_180 : vector<16xf32>
    %add3A_182 = arith.addf %add3A_174, %mul3A_181 : vector<16xf32>
    %get3A_183 = arith.constant 6 : i32
    %get3A_184 = arith.index_cast %get3A_183 : i32 to index
    %get3A_185 = arith.constant 32 : index
    %get3A_186 = tpu.vector_load %arg9[%get3A_184, %get3A_185] {strides = array<i32>} : memref<7x256xf32, #tpu.memory_space<vmem>>, vector<16xf32>,
    %mul3A_187 = arith.constant 1.000000e+00 : f32
    %mul3A_188 = vector.broadcast %mul3A_187 : f32 to vector<16xf32>
    %mul3A_189 = arith.mulf %get3A_186, %mul3A_188 : vector<16xf32>
    %add3A_190 = arith.addf %add3A_182, %mul3A_189 : vector<16xf32>
    %swap3A_191 = arith.constant 32 : index
    %swap3A_192 = tpu.vector_load %arg10[%swap3A_191] {strides = array<i32>} : memref<256xf32, #tpu.memory_space<vmem>>, vector<16xf32>,
    tpu.vector_store %arg10[%swap3A_191], %add3A_190 {strides = array<i32>} : memref<256xf32, #tpu.memory_space<vmem>>, vector<16xf32>,
    %get3A_193 = arith.constant 0 : i32
    %get3A_194 = arith.index_cast %get3A_193 : i32 to index
    %get3A_195 = arith.constant 48 : index
    %get3A_196 = tpu.vector_load %arg9[%get3A_194, %get3A_195] {strides = array<i32>} : memref<7x256xf32, #tpu.memory_space<vmem>>, vector<16xf32>,
    %mul3A_197 = arith.constant 6.400000e+01 : f32
    %mul3A_198 = vector.broadcast %mul3A_197 : f32 to vector<16xf32>
    %mul3A_199 = arith.mulf %get3A_196, %mul3A_198 : vector<16xf32>
    %get3A_200 = arith.constant 1 : i32
    %get3A_201 = arith.index_cast %get3A_200 : i32 to index
    %get3A_202 = arith.constant 48 : index
    %get3A_203 = tpu.vector_load %arg9[%get3A_201, %get3A_202] {strides = array<i32>} : memref<7x256xf32, #tpu.memory_space<vmem>>, vector<16xf32>,
    %mul3A_204 = arith.constant 3.200000e+01 : f32
    %mul3A_205 = vector.broadcast %mul3A_204 : f32 to vector<16xf32>
    %mul3A_206 = arith.mulf %get3A_203, %mul3A_205 : vector<16xf32>
    %add3A_207 = arith.addf %mul3A_199, %mul3A_206 : vector<16xf32>
    %get3A_208 = arith.constant 2 : i32
    %get3A_209 = arith.index_cast %get3A_208 : i32 to index
    %get3A_210 = arith.constant 48 : index
    %get3A_211 = tpu.vector_load %arg9[%get3A_209, %get3A_210] {strides = array<i32>} : memref<7x256xf32, #tpu.memory_space<vmem>>, vector<16xf32>,
    %mul3A_212 = arith.constant 1.600000e+01 : f32
    %mul3A_213 = vector.broadcast %mul3A_212 : f32 to vector<16xf32>
    %mul3A_214 = arith.mulf %get3A_211, %mul3A_213 : vector<16xf32>
    %add3A_215 = arith.addf %add3A_207, %mul3A_214 : vector<16xf32>
    %get3A_216 = arith.constant 3 : i32
    %get3A_217 = arith.index_cast %get3A_216 : i32 to index
    %get3A_218 = arith.constant 48 : index
    %get3A_219 = tpu.vector_load %arg9[%get3A_217, %get3A_218] {strides = array<i32>} : memref<7x256xf32, #tpu.memory_space<vmem>>, vector<16xf32>,
    %mul3A_220 = arith.constant 8.000000e+00 : f32
    %mul3A_221 = vector.broadcast %mul3A_220 : f32 to vector<16xf32>
    %mul3A_222 = arith.mulf %get3A_219, %mul3A_221 : vector<16xf32>
    %add3A_223 = arith.addf %add3A_215, %mul3A_222 : vector<16xf32>
    %get3A_224 = arith.constant 4 : i32
    %get3A_225 = arith.index_cast %get3A_224 : i32 to index
    %get3A_226 = arith.constant 48 : index
    %get3A_227 = tpu.vector_load %arg9[%get3A_225, %get3A_226] {strides = array<i32>} : memref<7x256xf32, #tpu.memory_space<vmem>>, vector<16xf32>,
    %mul3A_228 = arith.constant 4.000000e+00 : f32
    %mul3A_229 = vector.broadcast %mul3A_228 : f32 to vector<16xf32>
    %mul3A_230 = arith.mulf %get3A_227, %mul3A_229 : vector<16xf32>
    %add3A_231 = arith.addf %add3A_223, %mul3A_230 : vector<16xf32>
    %get3A_232 = arith.constant 5 : i32
    %get3A_233 = arith.index_cast %get3A_232 : i32 to index
    %get3A_234 = arith.constant 48 : index
    %get3A_235 = tpu.vector_load %arg9[%get3A_233, %get3A_234] {strides = array<i32>} : memref<7x256xf32, #tpu.memory_space<vmem>>, vector<16xf32>,
    %mul3A_236 = arith.constant 2.000000e+00 : f32
    %mul3A_237 = vector.broadcast %mul3A_236 : f32 to vector<16xf32>
    %mul3A_238 = arith.mulf %get3A_235, %mul3A_237 : vector<16xf32>
    %add3A_239 = arith.addf %add3A_231, %mul3A_238 : vector<16xf32>
    %get3A_240 = arith.constant 6 : i32
    %get3A_241 = arith.index_cast %get3A_240 : i32 to index
    %get3A_242 = arith.constant 48 : index
    %get3A_243 = tpu.vector_load %arg9[%get3A_241, %get3A_242] {strides = array<i32>} : memref<7x256xf32, #tpu.memory_space<vmem>>, vector<16xf32>,
    %mul3A_244 = arith.constant 1.000000e+00 : f32
    %mul3A_245 = vector.broadcast %mul3A_244 : f32 to vector<16xf32>
    %mul3A_246 = arith.mulf %get3A_243, %mul3A_245 : vector<16xf32>
    %add3A_247 = arith.addf %add3A_239, %mul3A_246 : vector<16xf32>
    %swap3A_248 = arith.constant 48 : index
    %swap3A_249 = tpu.vector_load %arg10[%swap3A_248] {strides = array<i32>} : memref<256xf32, #tpu.memory_space<vmem>>, vector<16xf32>,
    tpu.vector_store %arg10[%swap3A_248], %add3A_247 {strides = array<i32>} : memref<256xf32, #tpu.memory_space<vmem>>, vector<16xf32>,
    %get3A_250 = arith.constant 0 : i32
    %get3A_251 = arith.index_cast %get3A_250 : i32 to index
    %get3A_252 = arith.constant 64 : index
    %get3A_253 = tpu.vector_load %arg9[%get3A_251, %get3A_252] {strides = array<i32>} : memref<7x256xf32, #tpu.memory_space<vmem>>, vector<16xf32>,
    %mul3A_254 = arith.constant 6.400000e+01 : f32
    %mul3A_255 = vector.broadcast %mul3A_254 : f32 to vector<16xf32>
    %mul3A_256 = arith.mulf %get3A_253, %mul3A_255 : vector<16xf32>
    %get3A_257 = arith.constant 1 : i32
    %get3A_258 = arith.index_cast %get3A_257 : i32 to index
    %get3A_259 = arith.constant 64 : index
    %get3A_260 = tpu.vector_load %arg9[%get3A_258, %get3A_259] {strides = array<i32>} : memref<7x256xf32, #tpu.memory_space<vmem>>, vector<16xf32>,
    %mul3A_261 = arith.constant 3.200000e+01 : f32
    %mul3A_262 = vector.broadcast %mul3A_261 : f32 to vector<16xf32>
    %mul3A_263 = arith.mulf %get3A_260, %mul3A_262 : vector<16xf32>
    %add3A_264 = arith.addf %mul3A_256, %mul3A_263 : vector<16xf32>
    %get3A_265 = arith.constant 2 : i32
    %get3A_266 = arith.index_cast %get3A_265 : i32 to index
    %get3A_267 = arith.constant 64 : index
    %get3A_268 = tpu.vector_load %arg9[%get3A_266, %get3A_267] {strides = array<i32>} : memref<7x256xf32, #tpu.memory_space<vmem>>, vector<16xf32>,
    %mul3A_269 = arith.constant 1.600000e+01 : f32
    %mul3A_270 = vector.broadcast %mul3A_269 : f32 to vector<16xf32>
    %mul3A_271 = arith.mulf %get3A_268, %mul3A_270 : vector<16xf32>
    %add3A_272 = arith.addf %add3A_264, %mul3A_271 : vector<16xf32>
    %get3A_273 = arith.constant 3 : i32
    %get3A_274 = arith.index_cast %get3A_273 : i32 to index
    %get3A_275 = arith.constant 64 : index
    %get3A_276 = tpu.vector_load %arg9[%get3A_274, %get3A_275] {strides = array<i32>} : memref<7x256xf32, #tpu.memory_space<vmem>>, vector<16xf32>,
    %mul3A_277 = arith.constant 8.000000e+00 : f32
    %mul3A_278 = vector.broadcast %mul3A_277 : f32 to vector<16xf32>
    %mul3A_279 = arith.mulf %get3A_276, %mul3A_278 : vector<16xf32>
    %add3A_280 = arith.addf %add3A_272, %mul3A_279 : vector<16xf32>
    %get3A_281 = arith.constant 4 : i32
    %get3A_282 = arith.index_cast %get3A_281 : i32 to index
    %get3A_283 = arith.constant 64 : index
    %get3A_284 = tpu.vector_load %arg9[%get3A_282, %get3A_283] {strides = array<i32>} : memref<7x256xf32, #tpu.memory_space<vmem>>, vector<16xf32>,
    %mul3A_285 = arith.constant 4.000000e+00 : f32
    %mul3A_286 = vector.broadcast %mul3A_285 : f32 to vector<16xf32>
    %mul3A_287 = arith.mulf %get3A_284, %mul3A_286 : vector<16xf32>
    %add3A_288 = arith.addf %add3A_280, %mul3A_287 : vector<16xf32>
    %get3A_289 = arith.constant 5 : i32
    %get3A_290 = arith.index_cast %get3A_289 : i32 to index
    %get3A_291 = arith.constant 64 : index
    %get3A_292 = tpu.vector_load %arg9[%get3A_290, %get3A_291] {strides = array<i32>} : memref<7x256xf32, #tpu.memory_space<vmem>>, vector<16xf32>,
    %mul3A_293 = arith.constant 2.000000e+00 : f32
    %mul3A_294 = vector.broadcast %mul3A_293 : f32 to vector<16xf32>
    %mul3A_295 = arith.mulf %get3A_292, %mul3A_294 : vector<16xf32>
    %add3A_296 = arith.addf %add3A_288, %mul3A_295 : vector<16xf32>
    %get3A_297 = arith.constant 6 : i32
    %get3A_298 = arith.index_cast %get3A_297 : i32 to index
    %get3A_299 = arith.constant 64 : index
    %get3A_300 = tpu.vector_load %arg9[%get3A_298, %get3A_299] {strides = array<i32>} : memref<7x256xf32, #tpu.memory_space<vmem>>, vector<16xf32>,
    %mul3A_301 = arith.constant 1.000000e+00 : f32
    %mul3A_302 = vector.broadcast %mul3A_301 : f32 to vector<16xf32>
    %mul3A_303 = arith.mulf %get3A_300, %mul3A_302 : vector<16xf32>
    %add3A_304 = arith.addf %add3A_296, %mul3A_303 : vector<16xf32>
    %swap3A_305 = arith.constant 64 : index
    %swap3A_306 = tpu.vector_load %arg10[%swap3A_305] {strides = array<i32>} : memref<256xf32, #tpu.memory_space<vmem>>, vector<16xf32>,
    tpu.vector_store %arg10[%swap3A_305], %add3A_304 {strides = array<i32>} : memref<256xf32, #tpu.memory_space<vmem>>, vector<16xf32>,
    %get3A_307 = arith.constant 0 : i32
    %get3A_308 = arith.index_cast %get3A_307 : i32 to index
    %get3A_309 = arith.constant 80 : index
    %get3A_310 = tpu.vector_load %arg9[%get3A_308, %get3A_309] {strides = array<i32>} : memref<7x256xf32, #tpu.memory_space<vmem>>, vector<16xf32>,
    %mul3A_311 = arith.constant 6.400000e+01 : f32
    %mul3A_312 = vector.broadcast %mul3A_311 : f32 to vector<16xf32>
    %mul3A_313 = arith.mulf %get3A_310, %mul3A_312 : vector<16xf32>
    %get3A_314 = arith.constant 1 : i32
    %get3A_315 = arith.index_cast %get3A_314 : i32 to index
    %get3A_316 = arith.constant 80 : index
    %get3A_317 = tpu.vector_load %arg9[%get3A_315, %get3A_316] {strides = array<i32>} : memref<7x256xf32, #tpu.memory_space<vmem>>, vector<16xf32>,
    %mul3A_318 = arith.constant 3.200000e+01 : f32
    %mul3A_319 = vector.broadcast %mul3A_318 : f32 to vector<16xf32>
    %mul3A_320 = arith.mulf %get3A_317, %mul3A_319 : vector<16xf32>
    %add3A_321 = arith.addf %mul3A_313, %mul3A_320 : vector<16xf32>
    %get3A_322 = arith.constant 2 : i32
    %get3A_323 = arith.index_cast %get3A_322 : i32 to index
    %get3A_324 = arith.constant 80 : index
    %get3A_325 = tpu.vector_load %arg9[%get3A_323, %get3A_324] {strides = array<i32>} : memref<7x256xf32, #tpu.memory_space<vmem>>, vector<16xf32>,
    %mul3A_326 = arith.constant 1.600000e+01 : f32
    %mul3A_327 = vector.broadcast %mul3A_326 : f32 to vector<16xf32>
    %mul3A_328 = arith.mulf %get3A_325, %mul3A_327 : vector<16xf32>
    %add3A_329 = arith.addf %add3A_321, %mul3A_328 : vector<16xf32>
    %get3A_330 = arith.constant 3 : i32
    %get3A_331 = arith.index_cast %get3A_330 : i32 to index
    %get3A_332 = arith.constant 80 : index
    %get3A_333 = tpu.vector_load %arg9[%get3A_331, %get3A_332] {strides = array<i32>} : memref<7x256xf32, #tpu.memory_space<vmem>>, vector<16xf32>,
    %mul3A_334 = arith.constant 8.000000e+00 : f32
    %mul3A_335 = vector.broadcast %mul3A_334 : f32 to vector<16xf32>
    %mul3A_336 = arith.mulf %get3A_333, %mul3A_335 : vector<16xf32>
    %add3A_337 = arith.addf %add3A_329, %mul3A_336 : vector<16xf32>
    %get3A_338 = arith.constant 4 : i32
    %get3A_339 = arith.index_cast %get3A_338 : i32 to index
    %get3A_340 = arith.constant 80 : index
    %get3A_341 = tpu.vector_load %arg9[%get3A_339, %get3A_340] {strides = array<i32>} : memref<7x256xf32, #tpu.memory_space<vmem>>, vector<16xf32>,
    %mul3A_342 = arith.constant 4.000000e+00 : f32
    %mul3A_343 = vector.broadcast %mul3A_342 : f32 to vector<16xf32>
    %mul3A_344 = arith.mulf %get3A_341, %mul3A_343 : vector<16xf32>
    %add3A_345 = arith.addf %add3A_337, %mul3A_344 : vector<16xf32>
    %get3A_346 = arith.constant 5 : i32
    %get3A_347 = arith.index_cast %get3A_346 : i32 to index
    %get3A_348 = arith.constant 80 : index
    %get3A_349 = tpu.vector_load %arg9[%get3A_347, %get3A_348] {strides = array<i32>} : memref<7x256xf32, #tpu.memory_space<vmem>>, vector<16xf32>,
    %mul3A_350 = arith.constant 2.000000e+00 : f32
    %mul3A_351 = vector.broadcast %mul3A_350 : f32 to vector<16xf32>
    %mul3A_352 = arith.mulf %get3A_349, %mul3A_351 : vector<16xf32>
    %add3A_353 = arith.addf %add3A_345, %mul3A_352 : vector<16xf32>
    %get3A_354 = arith.constant 6 : i32
    %get3A_355 = arith.index_cast %get3A_354 : i32 to index
    %get3A_356 = arith.constant 80 : index
    %get3A_357 = tpu.vector_load %arg9[%get3A_355, %get3A_356] {strides = array<i32>} : memref<7x256xf32, #tpu.memory_space<vmem>>, vector<16xf32>,
    %mul3A_358 = arith.constant 1.000000e+00 : f32
    %mul3A_359 = vector.broadcast %mul3A_358 : f32 to vector<16xf32>
    %mul3A_360 = arith.mulf %get3A_357, %mul3A_359 : vector<16xf32>
    %add3A_361 = arith.addf %add3A_353, %mul3A_360 : vector<16xf32>
    %swap3A_362 = arith.constant 80 : index
    %swap3A_363 = tpu.vector_load %arg10[%swap3A_362] {strides = array<i32>} : memref<256xf32, #tpu.memory_space<vmem>>, vector<16xf32>,
    tpu.vector_store %arg10[%swap3A_362], %add3A_361 {strides = array<i32>} : memref<256xf32, #tpu.memory_space<vmem>>, vector<16xf32>,
    %get3A_364 = arith.constant 0 : i32
    %get3A_365 = arith.index_cast %get3A_364 : i32 to index
    %get3A_366 = arith.constant 96 : index
    %get3A_367 = tpu.vector_load %arg9[%get3A_365, %get3A_366] {strides = array<i32>} : memref<7x256xf32, #tpu.memory_space<vmem>>, vector<16xf32>,
    %mul3A_368 = arith.constant 6.400000e+01 : f32
    %mul3A_369 = vector.broadcast %mul3A_368 : f32 to vector<16xf32>
    %mul3A_370 = arith.mulf %get3A_367, %mul3A_369 : vector<16xf32>
    %get3A_371 = arith.constant 1 : i32
    %get3A_372 = arith.index_cast %get3A_371 : i32 to index
    %get3A_373 = arith.constant 96 : index
    %get3A_374 = tpu.vector_load %arg9[%get3A_372, %get3A_373] {strides = array<i32>} : memref<7x256xf32, #tpu.memory_space<vmem>>, vector<16xf32>,
    %mul3A_375 = arith.constant 3.200000e+01 : f32
    %mul3A_376 = vector.broadcast %mul3A_375 : f32 to vector<16xf32>
    %mul3A_377 = arith.mulf %get3A_374, %mul3A_376 : vector<16xf32>
    %add3A_378 = arith.addf %mul3A_370, %mul3A_377 : vector<16xf32>
    %get3A_379 = arith.constant 2 : i32
    %get3A_380 = arith.index_cast %get3A_379 : i32 to index
    %get3A_381 = arith.constant 96 : index
    %get3A_382 = tpu.vector_load %arg9[%get3A_380, %get3A_381] {strides = array<i32>} : memref<7x256xf32, #tpu.memory_space<vmem>>, vector<16xf32>,
    %mul3A_383 = arith.constant 1.600000e+01 : f32
    %mul3A_384 = vector.broadcast %mul3A_383 : f32 to vector<16xf32>
    %mul3A_385 = arith.mulf %get3A_382, %mul3A_384 : vector<16xf32>
    %add3A_386 = arith.addf %add3A_378, %mul3A_385 : vector<16xf32>
    %get3A_387 = arith.constant 3 : i32
    %get3A_388 = arith.index_cast %get3A_387 : i32 to index
    %get3A_389 = arith.constant 96 : index
    %get3A_390 = tpu.vector_load %arg9[%get3A_388, %get3A_389] {strides = array<i32>} : memref<7x256xf32, #tpu.memory_space<vmem>>, vector<16xf32>,
    %mul3A_391 = arith.constant 8.000000e+00 : f32
    %mul3A_392 = vector.broadcast %mul3A_391 : f32 to vector<16xf32>
    %mul3A_393 = arith.mulf %get3A_390, %mul3A_392 : vector<16xf32>
    %add3A_394 = arith.addf %add3A_386, %mul3A_393 : vector<16xf32>
    %get3A_395 = arith.constant 4 : i32
    %get3A_396 = arith.index_cast %get3A_395 : i32 to index
    %get3A_397 = arith.constant 96 : index
    %get3A_398 = tpu.vector_load %arg9[%get3A_396, %get3A_397] {strides = array<i32>} : memref<7x256xf32, #tpu.memory_space<vmem>>, vector<16xf32>,
    %mul3A_399 = arith.constant 4.000000e+00 : f32
    %mul3A_400 = vector.broadcast %mul3A_399 : f32 to vector<16xf32>
    %mul3A_401 = arith.mulf %get3A_398, %mul3A_400 : vector<16xf32>
    %add3A_402 = arith.addf %add3A_394, %mul3A_401 : vector<16xf32>
    %get3A_403 = arith.constant 5 : i32
    %get3A_404 = arith.index_cast %get3A_403 : i32 to index
    %get3A_405 = arith.constant 96 : index
    %get3A_406 = tpu.vector_load %arg9[%get3A_404, %get3A_405] {strides = array<i32>} : memref<7x256xf32, #tpu.memory_space<vmem>>, vector<16xf32>,
    %mul3A_407 = arith.constant 2.000000e+00 : f32
    %mul3A_408 = vector.broadcast %mul3A_407 : f32 to vector<16xf32>
    %mul3A_409 = arith.mulf %get3A_406, %mul3A_408 : vector<16xf32>
    %add3A_410 = arith.addf %add3A_402, %mul3A_409 : vector<16xf32>
    %get3A_411 = arith.constant 6 : i32
    %get3A_412 = arith.index_cast %get3A_411 : i32 to index
    %get3A_413 = arith.constant 96 : index
    %get3A_414 = tpu.vector_load %arg9[%get3A_412, %get3A_413] {strides = array<i32>} : memref<7x256xf32, #tpu.memory_space<vmem>>, vector<16xf32>,
    %mul3A_415 = arith.constant 1.000000e+00 : f32
    %mul3A_416 = vector.broadcast %mul3A_415 : f32 to vector<16xf32>
    %mul3A_417 = arith.mulf %get3A_414, %mul3A_416 : vector<16xf32>
    %add3A_418 = arith.addf %add3A_410, %mul3A_417 : vector<16xf32>
    %swap3A_419 = arith.constant 96 : index
    %swap3A_420 = tpu.vector_load %arg10[%swap3A_419] {strides = array<i32>} : memref<256xf32, #tpu.memory_space<vmem>>, vector<16xf32>,
    tpu.vector_store %arg10[%swap3A_419], %add3A_418 {strides = array<i32>} : memref<256xf32, #tpu.memory_space<vmem>>, vector<16xf32>,
    %get3A_421 = arith.constant 0 : i32
    %get3A_422 = arith.index_cast %get3A_421 : i32 to index
    %get3A_423 = arith.constant 112 : index
    %get3A_424 = tpu.vector_load %arg9[%get3A_422, %get3A_423] {strides = array<i32>} : memref<7x256xf32, #tpu.memory_space<vmem>>, vector<16xf32>,
    %mul3A_425 = arith.constant 6.400000e+01 : f32
    %mul3A_426 = vector.broadcast %mul3A_425 : f32 to vector<16xf32>
    %mul3A_427 = arith.mulf %get3A_424, %mul3A_426 : vector<16xf32>
    %get3A_428 = arith.constant 1 : i32
    %get3A_429 = arith.index_cast %get3A_428 : i32 to index
    %get3A_430 = arith.constant 112 : index
    %get3A_431 = tpu.vector_load %arg9[%get3A_429, %get3A_430] {strides = array<i32>} : memref<7x256xf32, #tpu.memory_space<vmem>>, vector<16xf32>,
    %mul3A_432 = arith.constant 3.200000e+01 : f32
    %mul3A_433 = vector.broadcast %mul3A_432 : f32 to vector<16xf32>
    %mul3A_434 = arith.mulf %get3A_431, %mul3A_433 : vector<16xf32>
    %add3A_435 = arith.addf %mul3A_427, %mul3A_434 : vector<16xf32>
    %get3A_436 = arith.constant 2 : i32
    %get3A_437 = arith.index_cast %get3A_436 : i32 to index
    %get3A_438 = arith.constant 112 : index
    %get3A_439 = tpu.vector_load %arg9[%get3A_437, %get3A_438] {strides = array<i32>} : memref<7x256xf32, #tpu.memory_space<vmem>>, vector<16xf32>,
    %mul3A_440 = arith.constant 1.600000e+01 : f32
    %mul3A_441 = vector.broadcast %mul3A_440 : f32 to vector<16xf32>
    %mul3A_442 = arith.mulf %get3A_439, %mul3A_441 : vector<16xf32>
    %add3A_443 = arith.addf %add3A_435, %mul3A_442 : vector<16xf32>
    %get3A_444 = arith.constant 3 : i32
    %get3A_445 = arith.index_cast %get3A_444 : i32 to index
    %get3A_446 = arith.constant 112 : index
    %get3A_447 = tpu.vector_load %arg9[%get3A_445, %get3A_446] {strides = array<i32>} : memref<7x256xf32, #tpu.memory_space<vmem>>, vector<16xf32>,
    %mul3A_448 = arith.constant 8.000000e+00 : f32
    %mul3A_449 = vector.broadcast %mul3A_448 : f32 to vector<16xf32>
    %mul3A_450 = arith.mulf %get3A_447, %mul3A_449 : vector<16xf32>
    %add3A_451 = arith.addf %add3A_443, %mul3A_450 : vector<16xf32>
    %get3A_452 = arith.constant 4 : i32
    %get3A_453 = arith.index_cast %get3A_452 : i32 to index
    %get3A_454 = arith.constant 112 : index
    %get3A_455 = tpu.vector_load %arg9[%get3A_453, %get3A_454] {strides = array<i32>} : memref<7x256xf32, #tpu.memory_space<vmem>>, vector<16xf32>,
    %mul3A_456 = arith.constant 4.000000e+00 : f32
    %mul3A_457 = vector.broadcast %mul3A_456 : f32 to vector<16xf32>
    %mul3A_458 = arith.mulf %get3A_455, %mul3A_457 : vector<16xf32>
    %add3A_459 = arith.addf %add3A_451, %mul3A_458 : vector<16xf32>
    %get3A_460 = arith.constant 5 : i32
    %get3A_461 = arith.index_cast %get3A_460 : i32 to index
    %get3A_462 = arith.constant 112 : index
    %get3A_463 = tpu.vector_load %arg9[%get3A_461, %get3A_462] {strides = array<i32>} : memref<7x256xf32, #tpu.memory_space<vmem>>, vector<16xf32>,
    %mul3A_464 = arith.constant 2.000000e+00 : f32
    %mul3A_465 = vector.broadcast %mul3A_464 : f32 to vector<16xf32>
    %mul3A_466 = arith.mulf %get3A_463, %mul3A_465 : vector<16xf32>
    %add3A_467 = arith.addf %add3A_459, %mul3A_466 : vector<16xf32>
    %get3A_468 = arith.constant 6 : i32
    %get3A_469 = arith.index_cast %get3A_468 : i32 to index
    %get3A_470 = arith.constant 112 : index
    %get3A_471 = tpu.vector_load %arg9[%get3A_469, %get3A_470] {strides = array<i32>} : memref<7x256xf32, #tpu.memory_space<vmem>>, vector<16xf32>,
    %mul3A_472 = arith.constant 1.000000e+00 : f32
    %mul3A_473 = vector.broadcast %mul3A_472 : f32 to vector<16xf32>
    %mul3A_474 = arith.mulf %get3A_471, %mul3A_473 : vector<16xf32>
    %add3A_475 = arith.addf %add3A_467, %mul3A_474 : vector<16xf32>
    %swap3A_476 = arith.constant 112 : index
    %swap3A_477 = tpu.vector_load %arg10[%swap3A_476] {strides = array<i32>} : memref<256xf32, #tpu.memory_space<vmem>>, vector<16xf32>,
    tpu.vector_store %arg10[%swap3A_476], %add3A_475 {strides = array<i32>} : memref<256xf32, #tpu.memory_space<vmem>>, vector<16xf32>,
    %get3A_478 = arith.constant 0 : i32
    %get3A_479 = arith.index_cast %get3A_478 : i32 to index
    %get3A_480 = arith.constant 128 : index
    %get3A_481 = tpu.vector_load %arg9[%get3A_479, %get3A_480] {strides = array<i32>} : memref<7x256xf32, #tpu.memory_space<vmem>>, vector<16xf32>,
    %mul3A_482 = arith.constant 6.400000e+01 : f32
    %mul3A_483 = vector.broadcast %mul3A_482 : f32 to vector<16xf32>
    %mul3A_484 = arith.mulf %get3A_481, %mul3A_483 : vector<16xf32>
    %get3A_485 = arith.constant 1 : i32
    %get3A_486 = arith.index_cast %get3A_485 : i32 to index
    %get3A_487 = arith.constant 128 : index
    %get3A_488 = tpu.vector_load %arg9[%get3A_486, %get3A_487] {strides = array<i32>} : memref<7x256xf32, #tpu.memory_space<vmem>>, vector<16xf32>,
    %mul3A_489 = arith.constant 3.200000e+01 : f32
    %mul3A_490 = vector.broadcast %mul3A_489 : f32 to vector<16xf32>
    %mul3A_491 = arith.mulf %get3A_488, %mul3A_490 : vector<16xf32>
    %add3A_492 = arith.addf %mul3A_484, %mul3A_491 : vector<16xf32>
    %get3A_493 = arith.constant 2 : i32
    %get3A_494 = arith.index_cast %get3A_493 : i32 to index
    %get3A_495 = arith.constant 128 : index
    %get3A_496 = tpu.vector_load %arg9[%get3A_494, %get3A_495] {strides = array<i32>} : memref<7x256xf32, #tpu.memory_space<vmem>>, vector<16xf32>,
    %mul3A_497 = arith.constant 1.600000e+01 : f32
    %mul3A_498 = vector.broadcast %mul3A_497 : f32 to vector<16xf32>
    %mul3A_499 = arith.mulf %get3A_496, %mul3A_498 : vector<16xf32>
    %add3A_500 = arith.addf %add3A_492, %mul3A_499 : vector<16xf32>
    %get3A_501 = arith.constant 3 : i32
    %get3A_502 = arith.index_cast %get3A_501 : i32 to index
    %get3A_503 = arith.constant 128 : index
    %get3A_504 = tpu.vector_load %arg9[%get3A_502, %get3A_503] {strides = array<i32>} : memref<7x256xf32, #tpu.memory_space<vmem>>, vector<16xf32>,
    %mul3A_505 = arith.constant 8.000000e+00 : f32
    %mul3A_506 = vector.broadcast %mul3A_505 : f32 to vector<16xf32>
    %mul3A_507 = arith.mulf %get3A_504, %mul3A_506 : vector<16xf32>
    %add3A_508 = arith.addf %add3A_500, %mul3A_507 : vector<16xf32>
    %get3A_509 = arith.constant 4 : i32
    %get3A_510 = arith.index_cast %get3A_509 : i32 to index
    %get3A_511 = arith.constant 128 : index
    %get3A_512 = tpu.vector_load %arg9[%get3A_510, %get3A_511] {strides = array<i32>} : memref<7x256xf32, #tpu.memory_space<vmem>>, vector<16xf32>,
    %mul3A_513 = arith.constant 4.000000e+00 : f32
    %mul3A_514 = vector.broadcast %mul3A_513 : f32 to vector<16xf32>
    %mul3A_515 = arith.mulf %get3A_512, %mul3A_514 : vector<16xf32>
    %add3A_516 = arith.addf %add3A_508, %mul3A_515 : vector<16xf32>
    %get3A_517 = arith.constant 5 : i32
    %get3A_518 = arith.index_cast %get3A_517 : i32 to index
    %get3A_519 = arith.constant 128 : index
    %get3A_520 = tpu.vector_load %arg9[%get3A_518, %get3A_519] {strides = array<i32>} : memref<7x256xf32, #tpu.memory_space<vmem>>, vector<16xf32>,
    %mul3A_521 = arith.constant 2.000000e+00 : f32
    %mul3A_522 = vector.broadcast %mul3A_521 : f32 to vector<16xf32>
    %mul3A_523 = arith.mulf %get3A_520, %mul3A_522 : vector<16xf32>
    %add3A_524 = arith.addf %add3A_516, %mul3A_523 : vector<16xf32>
    %get3A_525 = arith.constant 6 : i32
    %get3A_526 = arith.index_cast %get3A_525 : i32 to index
    %get3A_527 = arith.constant 128 : index
    %get3A_528 = tpu.vector_load %arg9[%get3A_526, %get3A_527] {strides = array<i32>} : memref<7x256xf32, #tpu.memory_space<vmem>>, vector<16xf32>,
    %mul3A_529 = arith.constant 1.000000e+00 : f32
    %mul3A_530 = vector.broadcast %mul3A_529 : f32 to vector<16xf32>
    %mul3A_531 = arith.mulf %get3A_528, %mul3A_530 : vector<16xf32>
    %add3A_532 = arith.addf %add3A_524, %mul3A_531 : vector<16xf32>
    %swap3A_533 = arith.constant 128 : index
    %swap3A_534 = tpu.vector_load %arg10[%swap3A_533] {strides = array<i32>} : memref<256xf32, #tpu.memory_space<vmem>>, vector<16xf32>,
    tpu.vector_store %arg10[%swap3A_533], %add3A_532 {strides = array<i32>} : memref<256xf32, #tpu.memory_space<vmem>>, vector<16xf32>,
    %get3A_535 = arith.constant 0 : i32
    %get3A_536 = arith.index_cast %get3A_535 : i32 to index
    %get3A_537 = arith.constant 144 : index
    %get3A_538 = tpu.vector_load %arg9[%get3A_536, %get3A_537] {strides = array<i32>} : memref<7x256xf32, #tpu.memory_space<vmem>>, vector<16xf32>,
    %mul3A_539 = arith.constant 6.400000e+01 : f32
    %mul3A_540 = vector.broadcast %mul3A_539 : f32 to vector<16xf32>
    %mul3A_541 = arith.mulf %get3A_538, %mul3A_540 : vector<16xf32>
    %get3A_542 = arith.constant 1 : i32
    %get3A_543 = arith.index_cast %get3A_542 : i32 to index
    %get3A_544 = arith.constant 144 : index
    %get3A_545 = tpu.vector_load %arg9[%get3A_543, %get3A_544] {strides = array<i32>} : memref<7x256xf32, #tpu.memory_space<vmem>>, vector<16xf32>,
    %mul3A_546 = arith.constant 3.200000e+01 : f32
    %mul3A_547 = vector.broadcast %mul3A_546 : f32 to vector<16xf32>
    %mul3A_548 = arith.mulf %get3A_545, %mul3A_547 : vector<16xf32>
    %add3A_549 = arith.addf %mul3A_541, %mul3A_548 : vector<16xf32>
    %get3A_550 = arith.constant 2 : i32
    %get3A_551 = arith.index_cast %get3A_550 : i32 to index
    %get3A_552 = arith.constant 144 : index
    %get3A_553 = tpu.vector_load %arg9[%get3A_551, %get3A_552] {strides = array<i32>} : memref<7x256xf32, #tpu.memory_space<vmem>>, vector<16xf32>,
    %mul3A_554 = arith.constant 1.600000e+01 : f32
    %mul3A_555 = vector.broadcast %mul3A_554 : f32 to vector<16xf32>
    %mul3A_556 = arith.mulf %get3A_553, %mul3A_555 : vector<16xf32>
    %add3A_557 = arith.addf %add3A_549, %mul3A_556 : vector<16xf32>
    %get3A_558 = arith.constant 3 : i32
    %get3A_559 = arith.index_cast %get3A_558 : i32 to index
    %get3A_560 = arith.constant 144 : index
    %get3A_561 = tpu.vector_load %arg9[%get3A_559, %get3A_560] {strides = array<i32>} : memref<7x256xf32, #tpu.memory_space<vmem>>, vector<16xf32>,
    %mul3A_562 = arith.constant 8.000000e+00 : f32
    %mul3A_563 = vector.broadcast %mul3A_562 : f32 to vector<16xf32>
    %mul3A_564 = arith.mulf %get3A_561, %mul3A_563 : vector<16xf32>
    %add3A_565 = arith.addf %add3A_557, %mul3A_564 : vector<16xf32>
    %get3A_566 = arith.constant 4 : i32
    %get3A_567 = arith.index_cast %get3A_566 : i32 to index
    %get3A_568 = arith.constant 144 : index
    %get3A_569 = tpu.vector_load %arg9[%get3A_567, %get3A_568] {strides = array<i32>} : memref<7x256xf32, #tpu.memory_space<vmem>>, vector<16xf32>,
    %mul3A_570 = arith.constant 4.000000e+00 : f32
    %mul3A_571 = vector.broadcast %mul3A_570 : f32 to vector<16xf32>
    %mul3A_572 = arith.mulf %get3A_569, %mul3A_571 : vector<16xf32>
    %add3A_573 = arith.addf %add3A_565, %mul3A_572 : vector<16xf32>
    %get3A_574 = arith.constant 5 : i32
    %get3A_575 = arith.index_cast %get3A_574 : i32 to index
    %get3A_576 = arith.constant 144 : index
    %get3A_577 = tpu.vector_load %arg9[%get3A_575, %get3A_576] {strides = array<i32>} : memref<7x256xf32, #tpu.memory_space<vmem>>, vector<16xf32>,
    %mul3A_578 = arith.constant 2.000000e+00 : f32
    %mul3A_579 = vector.broadcast %mul3A_578 : f32 to vector<16xf32>
    %mul3A_580 = arith.mulf %get3A_577, %mul3A_579 : vector<16xf32>
    %add3A_581 = arith.addf %add3A_573, %mul3A_580 : vector<16xf32>
    %get3A_582 = arith.constant 6 : i32
    %get3A_583 = arith.index_cast %get3A_582 : i32 to index
    %get3A_584 = arith.constant 144 : index
    %get3A_585 = tpu.vector_load %arg9[%get3A_583, %get3A_584] {strides = array<i32>} : memref<7x256xf32, #tpu.memory_space<vmem>>, vector<16xf32>,
    %mul3A_586 = arith.constant 1.000000e+00 : f32
    %mul3A_587 = vector.broadcast %mul3A_586 : f32 to vector<16xf32>
    %mul3A_588 = arith.mulf %get3A_585, %mul3A_587 : vector<16xf32>
    %add3A_589 = arith.addf %add3A_581, %mul3A_588 : vector<16xf32>
    %swap3A_590 = arith.constant 144 : index
    %swap3A_591 = tpu.vector_load %arg10[%swap3A_590] {strides = array<i32>} : memref<256xf32, #tpu.memory_space<vmem>>, vector<16xf32>,
    tpu.vector_store %arg10[%swap3A_590], %add3A_589 {strides = array<i32>} : memref<256xf32, #tpu.memory_space<vmem>>, vector<16xf32>,
    %get3A_592 = arith.constant 0 : i32
    %get3A_593 = arith.index_cast %get3A_592 : i32 to index
    %get3A_594 = arith.constant 160 : index
    %get3A_595 = tpu.vector_load %arg9[%get3A_593, %get3A_594] {strides = array<i32>} : memref<7x256xf32, #tpu.memory_space<vmem>>, vector<16xf32>,
    %mul3A_596 = arith.constant 6.400000e+01 : f32
    %mul3A_597 = vector.broadcast %mul3A_596 : f32 to vector<16xf32>
    %mul3A_598 = arith.mulf %get3A_595, %mul3A_597 : vector<16xf32>
    %get3A_599 = arith.constant 1 : i32
    %get3A_600 = arith.index_cast %get3A_599 : i32 to index
    %get3A_601 = arith.constant 160 : index
    %get3A_602 = tpu.vector_load %arg9[%get3A_600, %get3A_601] {strides = array<i32>} : memref<7x256xf32, #tpu.memory_space<vmem>>, vector<16xf32>,
    %mul3A_603 = arith.constant 3.200000e+01 : f32
    %mul3A_604 = vector.broadcast %mul3A_603 : f32 to vector<16xf32>
    %mul3A_605 = arith.mulf %get3A_602, %mul3A_604 : vector<16xf32>
    %add3A_606 = arith.addf %mul3A_598, %mul3A_605 : vector<16xf32>
    %get3A_607 = arith.constant 2 : i32
    %get3A_608 = arith.index_cast %get3A_607 : i32 to index
    %get3A_609 = arith.constant 160 : index
    %get3A_610 = tpu.vector_load %arg9[%get3A_608, %get3A_609] {strides = array<i32>} : memref<7x256xf32, #tpu.memory_space<vmem>>, vector<16xf32>,
    %mul3A_611 = arith.constant 1.600000e+01 : f32
    %mul3A_612 = vector.broadcast %mul3A_611 : f32 to vector<16xf32>
    %mul3A_613 = arith.mulf %get3A_610, %mul3A_612 : vector<16xf32>
    %add3A_614 = arith.addf %add3A_606, %mul3A_613 : vector<16xf32>
    %get3A_615 = arith.constant 3 : i32
    %get3A_616 = arith.index_cast %get3A_615 : i32 to index
    %get3A_617 = arith.constant 160 : index
    %get3A_618 = tpu.vector_load %arg9[%get3A_616, %get3A_617] {strides = array<i32>} : memref<7x256xf32, #tpu.memory_space<vmem>>, vector<16xf32>,
    %mul3A_619 = arith.constant 8.000000e+00 : f32
    %mul3A_620 = vector.broadcast %mul3A_619 : f32 to vector<16xf32>
    %mul3A_621 = arith.mulf %get3A_618, %mul3A_620 : vector<16xf32>
    %add3A_622 = arith.addf %add3A_614, %mul3A_621 : vector<16xf32>
    %get3A_623 = arith.constant 4 : i32
    %get3A_624 = arith.index_cast %get3A_623 : i32 to index
    %get3A_625 = arith.constant 160 : index
    %get3A_626 = tpu.vector_load %arg9[%get3A_624, %get3A_625] {strides = array<i32>} : memref<7x256xf32, #tpu.memory_space<vmem>>, vector<16xf32>,
    %mul3A_627 = arith.constant 4.000000e+00 : f32
    %mul3A_628 = vector.broadcast %mul3A_627 : f32 to vector<16xf32>
    %mul3A_629 = arith.mulf %get3A_626, %mul3A_628 : vector<16xf32>
    %add3A_630 = arith.addf %add3A_622, %mul3A_629 : vector<16xf32>
    %get3A_631 = arith.constant 5 : i32
    %get3A_632 = arith.index_cast %get3A_631 : i32 to index
    %get3A_633 = arith.constant 160 : index
    %get3A_634 = tpu.vector_load %arg9[%get3A_632, %get3A_633] {strides = array<i32>} : memref<7x256xf32, #tpu.memory_space<vmem>>, vector<16xf32>,
    %mul3A_635 = arith.constant 2.000000e+00 : f32
    %mul3A_636 = vector.broadcast %mul3A_635 : f32 to vector<16xf32>
    %mul3A_637 = arith.mulf %get3A_634, %mul3A_636 : vector<16xf32>
    %add3A_638 = arith.addf %add3A_630, %mul3A_637 : vector<16xf32>
    %get3A_639 = arith.constant 6 : i32
    %get3A_640 = arith.index_cast %get3A_639 : i32 to index
    %get3A_641 = arith.constant 160 : index
    %get3A_642 = tpu.vector_load %arg9[%get3A_640, %get3A_641] {strides = array<i32>} : memref<7x256xf32, #tpu.memory_space<vmem>>, vector<16xf32>,
    %mul3A_643 = arith.constant 1.000000e+00 : f32
    %mul3A_644 = vector.broadcast %mul3A_643 : f32 to vector<16xf32>
    %mul3A_645 = arith.mulf %get3A_642, %mul3A_644 : vector<16xf32>
    %add3A_646 = arith.addf %add3A_638, %mul3A_645 : vector<16xf32>
    %swap3A_647 = arith.constant 160 : index
    %swap3A_648 = tpu.vector_load %arg10[%swap3A_647] {strides = array<i32>} : memref<256xf32, #tpu.memory_space<vmem>>, vector<16xf32>,
    tpu.vector_store %arg10[%swap3A_647], %add3A_646 {strides = array<i32>} : memref<256xf32, #tpu.memory_space<vmem>>, vector<16xf32>,
    %get3A_649 = arith.constant 0 : i32
    %get3A_650 = arith.index_cast %get3A_649 : i32 to index
    %get3A_651 = arith.constant 176 : index
    %get3A_652 = tpu.vector_load %arg9[%get3A_650, %get3A_651] {strides = array<i32>} : memref<7x256xf32, #tpu.memory_space<vmem>>, vector<16xf32>,
    %mul3A_653 = arith.constant 6.400000e+01 : f32
    %mul3A_654 = vector.broadcast %mul3A_653 : f32 to vector<16xf32>
    %mul3A_655 = arith.mulf %get3A_652, %mul3A_654 : vector<16xf32>
    %get3A_656 = arith.constant 1 : i32
    %get3A_657 = arith.index_cast %get3A_656 : i32 to index
    %get3A_658 = arith.constant 176 : index
    %get3A_659 = tpu.vector_load %arg9[%get3A_657, %get3A_658] {strides = array<i32>} : memref<7x256xf32, #tpu.memory_space<vmem>>, vector<16xf32>,
    %mul3A_660 = arith.constant 3.200000e+01 : f32
    %mul3A_661 = vector.broadcast %mul3A_660 : f32 to vector<16xf32>
    %mul3A_662 = arith.mulf %get3A_659, %mul3A_661 : vector<16xf32>
    %add3A_663 = arith.addf %mul3A_655, %mul3A_662 : vector<16xf32>
    %get3A_664 = arith.constant 2 : i32
    %get3A_665 = arith.index_cast %get3A_664 : i32 to index
    %get3A_666 = arith.constant 176 : index
    %get3A_667 = tpu.vector_load %arg9[%get3A_665, %get3A_666] {strides = array<i32>} : memref<7x256xf32, #tpu.memory_space<vmem>>, vector<16xf32>,
    %mul3A_668 = arith.constant 1.600000e+01 : f32
    %mul3A_669 = vector.broadcast %mul3A_668 : f32 to vector<16xf32>
    %mul3A_670 = arith.mulf %get3A_667, %mul3A_669 : vector<16xf32>
    %add3A_671 = arith.addf %add3A_663, %mul3A_670 : vector<16xf32>
    %get3A_672 = arith.constant 3 : i32
    %get3A_673 = arith.index_cast %get3A_672 : i32 to index
    %get3A_674 = arith.constant 176 : index
    %get3A_675 = tpu.vector_load %arg9[%get3A_673, %get3A_674] {strides = array<i32>} : memref<7x256xf32, #tpu.memory_space<vmem>>, vector<16xf32>,
    %mul3A_676 = arith.constant 8.000000e+00 : f32
    %mul3A_677 = vector.broadcast %mul3A_676 : f32 to vector<16xf32>
    %mul3A_678 = arith.mulf %get3A_675, %mul3A_677 : vector<16xf32>
    %add3A_679 = arith.addf %add3A_671, %mul3A_678 : vector<16xf32>
    %get3A_680 = arith.constant 4 : i32
    %get3A_681 = arith.index_cast %get3A_680 : i32 to index
    %get3A_682 = arith.constant 176 : index
    %get3A_683 = tpu.vector_load %arg9[%get3A_681, %get3A_682] {strides = array<i32>} : memref<7x256xf32, #tpu.memory_space<vmem>>, vector<16xf32>,
    %mul3A_684 = arith.constant 4.000000e+00 : f32
    %mul3A_685 = vector.broadcast %mul3A_684 : f32 to vector<16xf32>
    %mul3A_686 = arith.mulf %get3A_683, %mul3A_685 : vector<16xf32>
    %add3A_687 = arith.addf %add3A_679, %mul3A_686 : vector<16xf32>
    %get3A_688 = arith.constant 5 : i32
    %get3A_689 = arith.index_cast %get3A_688 : i32 to index
    %get3A_690 = arith.constant 176 : index
    %get3A_691 = tpu.vector_load %arg9[%get3A_689, %get3A_690] {strides = array<i32>} : memref<7x256xf32, #tpu.memory_space<vmem>>, vector<16xf32>,
    %mul3A_692 = arith.constant 2.000000e+00 : f32
    %mul3A_693 = vector.broadcast %mul3A_692 : f32 to vector<16xf32>
    %mul3A_694 = arith.mulf %get3A_691, %mul3A_693 : vector<16xf32>
    %add3A_695 = arith.addf %add3A_687, %mul3A_694 : vector<16xf32>
    %get3A_696 = arith.constant 6 : i32
    %get3A_697 = arith.index_cast %get3A_696 : i32 to index
    %get3A_698 = arith.constant 176 : index
    %get3A_699 = tpu.vector_load %arg9[%get3A_697, %get3A_698] {strides = array<i32>} : memref<7x256xf32, #tpu.memory_space<vmem>>, vector<16xf32>,
    %mul3A_700 = arith.constant 1.000000e+00 : f32
    %mul3A_701 = vector.broadcast %mul3A_700 : f32 to vector<16xf32>
    %mul3A_702 = arith.mulf %get3A_699, %mul3A_701 : vector<16xf32>
    %add3A_703 = arith.addf %add3A_695, %mul3A_702 : vector<16xf32>
    %swap3A_704 = arith.constant 176 : index
    %swap3A_705 = tpu.vector_load %arg10[%swap3A_704] {strides = array<i32>} : memref<256xf32, #tpu.memory_space<vmem>>, vector<16xf32>,
    tpu.vector_store %arg10[%swap3A_704], %add3A_703 {strides = array<i32>} : memref<256xf32, #tpu.memory_space<vmem>>, vector<16xf32>,
    %get3A_706 = arith.constant 0 : i32
    %get3A_707 = arith.index_cast %get3A_706 : i32 to index
    %get3A_708 = arith.constant 192 : index
    %get3A_709 = tpu.vector_load %arg9[%get3A_707, %get3A_708] {strides = array<i32>} : memref<7x256xf32, #tpu.memory_space<vmem>>, vector<16xf32>,
    %mul3A_710 = arith.constant 6.400000e+01 : f32
    %mul3A_711 = vector.broadcast %mul3A_710 : f32 to vector<16xf32>
    %mul3A_712 = arith.mulf %get3A_709, %mul3A_711 : vector<16xf32>
    %get3A_713 = arith.constant 1 : i32
    %get3A_714 = arith.index_cast %get3A_713 : i32 to index
    %get3A_715 = arith.constant 192 : index
    %get3A_716 = tpu.vector_load %arg9[%get3A_714, %get3A_715] {strides = array<i32>} : memref<7x256xf32, #tpu.memory_space<vmem>>, vector<16xf32>,
    %mul3A_717 = arith.constant 3.200000e+01 : f32
    %mul3A_718 = vector.broadcast %mul3A_717 : f32 to vector<16xf32>
    %mul3A_719 = arith.mulf %get3A_716, %mul3A_718 : vector<16xf32>
    %add3A_720 = arith.addf %mul3A_712, %mul3A_719 : vector<16xf32>
    %get3A_721 = arith.constant 2 : i32
    %get3A_722 = arith.index_cast %get3A_721 : i32 to index
    %get3A_723 = arith.constant 192 : index
    %get3A_724 = tpu.vector_load %arg9[%get3A_722, %get3A_723] {strides = array<i32>} : memref<7x256xf32, #tpu.memory_space<vmem>>, vector<16xf32>,
    %mul3A_725 = arith.constant 1.600000e+01 : f32
    %mul3A_726 = vector.broadcast %mul3A_725 : f32 to vector<16xf32>
    %mul3A_727 = arith.mulf %get3A_724, %mul3A_726 : vector<16xf32>
    %add3A_728 = arith.addf %add3A_720, %mul3A_727 : vector<16xf32>
    %get3A_729 = arith.constant 3 : i32
    %get3A_730 = arith.index_cast %get3A_729 : i32 to index
    %get3A_731 = arith.constant 192 : index
    %get3A_732 = tpu.vector_load %arg9[%get3A_730, %get3A_731] {strides = array<i32>} : memref<7x256xf32, #tpu.memory_space<vmem>>, vector<16xf32>,
    %mul3A_733 = arith.constant 8.000000e+00 : f32
    %mul3A_734 = vector.broadcast %mul3A_733 : f32 to vector<16xf32>
    %mul3A_735 = arith.mulf %get3A_732, %mul3A_734 : vector<16xf32>
    %add3A_736 = arith.addf %add3A_728, %mul3A_735 : vector<16xf32>
    %get3A_737 = arith.constant 4 : i32
    %get3A_738 = arith.index_cast %get3A_737 : i32 to index
    %get3A_739 = arith.constant 192 : index
    %get3A_740 = tpu.vector_load %arg9[%get3A_738, %get3A_739] {strides = array<i32>} : memref<7x256xf32, #tpu.memory_space<vmem>>, vector<16xf32>,
    %mul3A_741 = arith.constant 4.000000e+00 : f32
    %mul3A_742 = vector.broadcast %mul3A_741 : f32 to vector<16xf32>
    %mul3A_743 = arith.mulf %get3A_740, %mul3A_742 : vector<16xf32>
    %add3A_744 = arith.addf %add3A_736, %mul3A_743 : vector<16xf32>
    %get3A_745 = arith.constant 5 : i32
    %get3A_746 = arith.index_cast %get3A_745 : i32 to index
    %get3A_747 = arith.constant 192 : index
    %get3A_748 = tpu.vector_load %arg9[%get3A_746, %get3A_747] {strides = array<i32>} : memref<7x256xf32, #tpu.memory_space<vmem>>, vector<16xf32>,
    %mul3A_749 = arith.constant 2.000000e+00 : f32
    %mul3A_750 = vector.broadcast %mul3A_749 : f32 to vector<16xf32>
    %mul3A_751 = arith.mulf %get3A_748, %mul3A_750 : vector<16xf32>
    %add3A_752 = arith.addf %add3A_744, %mul3A_751 : vector<16xf32>
    %get3A_753 = arith.constant 6 : i32
    %get3A_754 = arith.index_cast %get3A_753 : i32 to index
    %get3A_755 = arith.constant 192 : index
    %get3A_756 = tpu.vector_load %arg9[%get3A_754, %get3A_755] {strides = array<i32>} : memref<7x256xf32, #tpu.memory_space<vmem>>, vector<16xf32>,
    %mul3A_757 = arith.constant 1.000000e+00 : f32
    %mul3A_758 = vector.broadcast %mul3A_757 : f32 to vector<16xf32>
    %mul3A_759 = arith.mulf %get3A_756, %mul3A_758 : vector<16xf32>
    %add3A_760 = arith.addf %add3A_752, %mul3A_759 : vector<16xf32>
    %swap3A_761 = arith.constant 192 : index
    %swap3A_762 = tpu.vector_load %arg10[%swap3A_761] {strides = array<i32>} : memref<256xf32, #tpu.memory_space<vmem>>, vector<16xf32>,
    tpu.vector_store %arg10[%swap3A_761], %add3A_760 {strides = array<i32>} : memref<256xf32, #tpu.memory_space<vmem>>, vector<16xf32>,
    %get3A_763 = arith.constant 0 : i32
    %get3A_764 = arith.index_cast %get3A_763 : i32 to index
    %get3A_765 = arith.constant 208 : index
    %get3A_766 = tpu.vector_load %arg9[%get3A_764, %get3A_765] {strides = array<i32>} : memref<7x256xf32, #tpu.memory_space<vmem>>, vector<16xf32>,
    %mul3A_767 = arith.constant 6.400000e+01 : f32
    %mul3A_768 = vector.broadcast %mul3A_767 : f32 to vector<16xf32>
    %mul3A_769 = arith.mulf %get3A_766, %mul3A_768 : vector<16xf32>
    %get3A_770 = arith.constant 1 : i32
    %get3A_771 = arith.index_cast %get3A_770 : i32 to index
    %get3A_772 = arith.constant 208 : index
    %get3A_773 = tpu.vector_load %arg9[%get3A_771, %get3A_772] {strides = array<i32>} : memref<7x256xf32, #tpu.memory_space<vmem>>, vector<16xf32>,
    %mul3A_774 = arith.constant 3.200000e+01 : f32
    %mul3A_775 = vector.broadcast %mul3A_774 : f32 to vector<16xf32>
    %mul3A_776 = arith.mulf %get3A_773, %mul3A_775 : vector<16xf32>
    %add3A_777 = arith.addf %mul3A_769, %mul3A_776 : vector<16xf32>
    %get3A_778 = arith.constant 2 : i32
    %get3A_779 = arith.index_cast %get3A_778 : i32 to index
    %get3A_780 = arith.constant 208 : index
    %get3A_781 = tpu.vector_load %arg9[%get3A_779, %get3A_780] {strides = array<i32>} : memref<7x256xf32, #tpu.memory_space<vmem>>, vector<16xf32>,
    %mul3A_782 = arith.constant 1.600000e+01 : f32
    %mul3A_783 = vector.broadcast %mul3A_782 : f32 to vector<16xf32>
    %mul3A_784 = arith.mulf %get3A_781, %mul3A_783 : vector<16xf32>
    %add3A_785 = arith.addf %add3A_777, %mul3A_784 : vector<16xf32>
    %get3A_786 = arith.constant 3 : i32
    %get3A_787 = arith.index_cast %get3A_786 : i32 to index
    %get3A_788 = arith.constant 208 : index
    %get3A_789 = tpu.vector_load %arg9[%get3A_787, %get3A_788] {strides = array<i32>} : memref<7x256xf32, #tpu.memory_space<vmem>>, vector<16xf32>,
    %mul3A_790 = arith.constant 8.000000e+00 : f32
    %mul3A_791 = vector.broadcast %mul3A_790 : f32 to vector<16xf32>
    %mul3A_792 = arith.mulf %get3A_789, %mul3A_791 : vector<16xf32>
    %add3A_793 = arith.addf %add3A_785, %mul3A_792 : vector<16xf32>
    %get3A_794 = arith.constant 4 : i32
    %get3A_795 = arith.index_cast %get3A_794 : i32 to index
    %get3A_796 = arith.constant 208 : index
    %get3A_797 = tpu.vector_load %arg9[%get3A_795, %get3A_796] {strides = array<i32>} : memref<7x256xf32, #tpu.memory_space<vmem>>, vector<16xf32>,
    %mul3A_798 = arith.constant 4.000000e+00 : f32
    %mul3A_799 = vector.broadcast %mul3A_798 : f32 to vector<16xf32>
    %mul3A_800 = arith.mulf %get3A_797, %mul3A_799 : vector<16xf32>
    %add3A_801 = arith.addf %add3A_793, %mul3A_800 : vector<16xf32>
    %get3A_802 = arith.constant 5 : i32
    %get3A_803 = arith.index_cast %get3A_802 : i32 to index
    %get3A_804 = arith.constant 208 : index
    %get3A_805 = tpu.vector_load %arg9[%get3A_803, %get3A_804] {strides = array<i32>} : memref<7x256xf32, #tpu.memory_space<vmem>>, vector<16xf32>,
    %mul3A_806 = arith.constant 2.000000e+00 : f32
    %mul3A_807 = vector.broadcast %mul3A_806 : f32 to vector<16xf32>
    %mul3A_808 = arith.mulf %get3A_805, %mul3A_807 : vector<16xf32>
    %add3A_809 = arith.addf %add3A_801, %mul3A_808 : vector<16xf32>
    %get3A_810 = arith.constant 6 : i32
    %get3A_811 = arith.index_cast %get3A_810 : i32 to index
    %get3A_812 = arith.constant 208 : index
    %get3A_813 = tpu.vector_load %arg9[%get3A_811, %get3A_812] {strides = array<i32>} : memref<7x256xf32, #tpu.memory_space<vmem>>, vector<16xf32>,
    %mul3A_814 = arith.constant 1.000000e+00 : f32
    %mul3A_815 = vector.broadcast %mul3A_814 : f32 to vector<16xf32>
    %mul3A_816 = arith.mulf %get3A_813, %mul3A_815 : vector<16xf32>
    %add3A_817 = arith.addf %add3A_809, %mul3A_816 : vector<16xf32>
    %swap3A_818 = arith.constant 208 : index
    %swap3A_819 = tpu.vector_load %arg10[%swap3A_818] {strides = array<i32>} : memref<256xf32, #tpu.memory_space<vmem>>, vector<16xf32>,
    tpu.vector_store %arg10[%swap3A_818], %add3A_817 {strides = array<i32>} : memref<256xf32, #tpu.memory_space<vmem>>, vector<16xf32>,
    %get3A_820 = arith.constant 0 : i32
    %get3A_821 = arith.index_cast %get3A_820 : i32 to index
    %get3A_822 = arith.constant 224 : index
    %get3A_823 = tpu.vector_load %arg9[%get3A_821, %get3A_822] {strides = array<i32>} : memref<7x256xf32, #tpu.memory_space<vmem>>, vector<16xf32>,
    %mul3A_824 = arith.constant 6.400000e+01 : f32
    %mul3A_825 = vector.broadcast %mul3A_824 : f32 to vector<16xf32>
    %mul3A_826 = arith.mulf %get3A_823, %mul3A_825 : vector<16xf32>
    %get3A_827 = arith.constant 1 : i32
    %get3A_828 = arith.index_cast %get3A_827 : i32 to index
    %get3A_829 = arith.constant 224 : index
    %get3A_830 = tpu.vector_load %arg9[%get3A_828, %get3A_829] {strides = array<i32>} : memref<7x256xf32, #tpu.memory_space<vmem>>, vector<16xf32>,
    %mul3A_831 = arith.constant 3.200000e+01 : f32
    %mul3A_832 = vector.broadcast %mul3A_831 : f32 to vector<16xf32>
    %mul3A_833 = arith.mulf %get3A_830, %mul3A_832 : vector<16xf32>
    %add3A_834 = arith.addf %mul3A_826, %mul3A_833 : vector<16xf32>
    %get3A_835 = arith.constant 2 : i32
    %get3A_836 = arith.index_cast %get3A_835 : i32 to index
    %get3A_837 = arith.constant 224 : index
    %get3A_838 = tpu.vector_load %arg9[%get3A_836, %get3A_837] {strides = array<i32>} : memref<7x256xf32, #tpu.memory_space<vmem>>, vector<16xf32>,
    %mul3A_839 = arith.constant 1.600000e+01 : f32
    %mul3A_840 = vector.broadcast %mul3A_839 : f32 to vector<16xf32>
    %mul3A_841 = arith.mulf %get3A_838, %mul3A_840 : vector<16xf32>
    %add3A_842 = arith.addf %add3A_834, %mul3A_841 : vector<16xf32>
    %get3A_843 = arith.constant 3 : i32
    %get3A_844 = arith.index_cast %get3A_843 : i32 to index
    %get3A_845 = arith.constant 224 : index
    %get3A_846 = tpu.vector_load %arg9[%get3A_844, %get3A_845] {strides = array<i32>} : memref<7x256xf32, #tpu.memory_space<vmem>>, vector<16xf32>,
    %mul3A_847 = arith.constant 8.000000e+00 : f32
    %mul3A_848 = vector.broadcast %mul3A_847 : f32 to vector<16xf32>
    %mul3A_849 = arith.mulf %get3A_846, %mul3A_848 : vector<16xf32>
    %add3A_850 = arith.addf %add3A_842, %mul3A_849 : vector<16xf32>
    %get3A_851 = arith.constant 4 : i32
    %get3A_852 = arith.index_cast %get3A_851 : i32 to index
    %get3A_853 = arith.constant 224 : index
    %get3A_854 = tpu.vector_load %arg9[%get3A_852, %get3A_853] {strides = array<i32>} : memref<7x256xf32, #tpu.memory_space<vmem>>, vector<16xf32>,
    %mul3A_855 = arith.constant 4.000000e+00 : f32
    %mul3A_856 = vector.broadcast %mul3A_855 : f32 to vector<16xf32>
    %mul3A_857 = arith.mulf %get3A_854, %mul3A_856 : vector<16xf32>
    %add3A_858 = arith.addf %add3A_850, %mul3A_857 : vector<16xf32>
    %get3A_859 = arith.constant 5 : i32
    %get3A_860 = arith.index_cast %get3A_859 : i32 to index
    %get3A_861 = arith.constant 224 : index
    %get3A_862 = tpu.vector_load %arg9[%get3A_860, %get3A_861] {strides = array<i32>} : memref<7x256xf32, #tpu.memory_space<vmem>>, vector<16xf32>,
    %mul3A_863 = arith.constant 2.000000e+00 : f32
    %mul3A_864 = vector.broadcast %mul3A_863 : f32 to vector<16xf32>
    %mul3A_865 = arith.mulf %get3A_862, %mul3A_864 : vector<16xf32>
    %add3A_866 = arith.addf %add3A_858, %mul3A_865 : vector<16xf32>
    %get3A_867 = arith.constant 6 : i32
    %get3A_868 = arith.index_cast %get3A_867 : i32 to index
    %get3A_869 = arith.constant 224 : index
    %get3A_870 = tpu.vector_load %arg9[%get3A_868, %get3A_869] {strides = array<i32>} : memref<7x256xf32, #tpu.memory_space<vmem>>, vector<16xf32>,
    %mul3A_871 = arith.constant 1.000000e+00 : f32
    %mul3A_872 = vector.broadcast %mul3A_871 : f32 to vector<16xf32>
    %mul3A_873 = arith.mulf %get3A_870, %mul3A_872 : vector<16xf32>
    %add3A_874 = arith.addf %add3A_866, %mul3A_873 : vector<16xf32>
    %swap3A_875 = arith.constant 224 : index
    %swap3A_876 = tpu.vector_load %arg10[%swap3A_875] {strides = array<i32>} : memref<256xf32, #tpu.memory_space<vmem>>, vector<16xf32>,
    tpu.vector_store %arg10[%swap3A_875], %add3A_874 {strides = array<i32>} : memref<256xf32, #tpu.memory_space<vmem>>, vector<16xf32>,
    %get3A_877 = arith.constant 0 : i32
    %get3A_878 = arith.index_cast %get3A_877 : i32 to index
    %get3A_879 = arith.constant 240 : index
    %get3A_880 = tpu.vector_load %arg9[%get3A_878, %get3A_879] {strides = array<i32>} : memref<7x256xf32, #tpu.memory_space<vmem>>, vector<16xf32>,
    %mul3A_881 = arith.constant 6.400000e+01 : f32
    %mul3A_882 = vector.broadcast %mul3A_881 : f32 to vector<16xf32>
    %mul3A_883 = arith.mulf %get3A_880, %mul3A_882 : vector<16xf32>
    %get3A_884 = arith.constant 1 : i32
    %get3A_885 = arith.index_cast %get3A_884 : i32 to index
    %get3A_886 = arith.constant 240 : index
    %get3A_887 = tpu.vector_load %arg9[%get3A_885, %get3A_886] {strides = array<i32>} : memref<7x256xf32, #tpu.memory_space<vmem>>, vector<16xf32>,
    %mul3A_888 = arith.constant 3.200000e+01 : f32
    %mul3A_889 = vector.broadcast %mul3A_888 : f32 to vector<16xf32>
    %mul3A_890 = arith.mulf %get3A_887, %mul3A_889 : vector<16xf32>
    %add3A_891 = arith.addf %mul3A_883, %mul3A_890 : vector<16xf32>
    %get3A_892 = arith.constant 2 : i32
    %get3A_893 = arith.index_cast %get3A_892 : i32 to index
    %get3A_894 = arith.constant 240 : index
    %get3A_895 = tpu.vector_load %arg9[%get3A_893, %get3A_894] {strides = array<i32>} : memref<7x256xf32, #tpu.memory_space<vmem>>, vector<16xf32>,
    %mul3A_896 = arith.constant 1.600000e+01 : f32
    %mul3A_897 = vector.broadcast %mul3A_896 : f32 to vector<16xf32>
    %mul3A_898 = arith.mulf %get3A_895, %mul3A_897 : vector<16xf32>
    %add3A_899 = arith.addf %add3A_891, %mul3A_898 : vector<16xf32>
    %get3A_900 = arith.constant 3 : i32
    %get3A_901 = arith.index_cast %get3A_900 : i32 to index
    %get3A_902 = arith.constant 240 : index
    %get3A_903 = tpu.vector_load %arg9[%get3A_901, %get3A_902] {strides = array<i32>} : memref<7x256xf32, #tpu.memory_space<vmem>>, vector<16xf32>,
    %mul3A_904 = arith.constant 8.000000e+00 : f32
    %mul3A_905 = vector.broadcast %mul3A_904 : f32 to vector<16xf32>
    %mul3A_906 = arith.mulf %get3A_903, %mul3A_905 : vector<16xf32>
    %add3A_907 = arith.addf %add3A_899, %mul3A_906 : vector<16xf32>
    %get3A_908 = arith.constant 4 : i32
    %get3A_909 = arith.index_cast %get3A_908 : i32 to index
    %get3A_910 = arith.constant 240 : index
    %get3A_911 = tpu.vector_load %arg9[%get3A_909, %get3A_910] {strides = array<i32>} : memref<7x256xf32, #tpu.memory_space<vmem>>, vector<16xf32>,
    %mul3A_912 = arith.constant 4.000000e+00 : f32
    %mul3A_913 = vector.broadcast %mul3A_912 : f32 to vector<16xf32>
    %mul3A_914 = arith.mulf %get3A_911, %mul3A_913 : vector<16xf32>
    %add3A_915 = arith.addf %add3A_907, %mul3A_914 : vector<16xf32>
    %get3A_916 = arith.constant 5 : i32
    %get3A_917 = arith.index_cast %get3A_916 : i32 to index
    %get3A_918 = arith.constant 240 : index
    %get3A_919 = tpu.vector_load %arg9[%get3A_917, %get3A_918] {strides = array<i32>} : memref<7x256xf32, #tpu.memory_space<vmem>>, vector<16xf32>,
    %mul3A_920 = arith.constant 2.000000e+00 : f32
    %mul3A_921 = vector.broadcast %mul3A_920 : f32 to vector<16xf32>
    %mul3A_922 = arith.mulf %get3A_919, %mul3A_921 : vector<16xf32>
    %add3A_923 = arith.addf %add3A_915, %mul3A_922 : vector<16xf32>
    %get3A_924 = arith.constant 6 : i32
    %get3A_925 = arith.index_cast %get3A_924 : i32 to index
    %get3A_926 = arith.constant 240 : index
    %get3A_927 = tpu.vector_load %arg9[%get3A_925, %get3A_926] {strides = array<i32>} : memref<7x256xf32, #tpu.memory_space<vmem>>, vector<16xf32>,
    %mul3A_928 = arith.constant 1.000000e+00 : f32
    %mul3A_929 = vector.broadcast %mul3A_928 : f32 to vector<16xf32>
    %mul3A_930 = arith.mulf %get3A_927, %mul3A_929 : vector<16xf32>
    %add3A_931 = arith.addf %add3A_923, %mul3A_930 : vector<16xf32>
    %swap3A_932 = arith.constant 240 : index
    %swap3A_933 = tpu.vector_load %arg10[%swap3A_932] {strides = array<i32>} : memref<256xf32, #tpu.memory_space<vmem>>, vector<16xf32>,
    tpu.vector_store %arg10[%swap3A_932], %add3A_931 {strides = array<i32>} : memref<256xf32, #tpu.memory_space<vmem>>, vector<16xf32>,
    %dma_wait3A = arith.constant 0 : i32
    %dma_wait3A_934 = arith.constant 0 : i32
    %dma_wait3A_935 = tpu.memref_slice %arg6[%dma_wait3A, %dma_wait3A_934] : memref<2x16384xi32, #tpu.memory_space<vmem>> -> memref<1x16384xi32, #tpu.memory_space<vmem>>
    %dma_wait3A_936 = tpu.memref_squeeze %dma_wait3A_935 : memref<1x16384xi32, #tpu.memory_space<vmem>> -> memref<16384xi32, #tpu.memory_space<vmem>>
    %dma_wait3A_937 = tpu.memref_slice %arg2[%add3A_4] : memref<1048576xi32, #tpu.memory_space<hbm>> -> memref<16384xi32, #tpu.memory_space<hbm>>
    %dma_wait3A_938 = arith.constant 0 : i32
    %dma_wait3A_939 = tpu.memref_slice %arg6[%dma_wait3A, %dma_wait3A_938] : memref<2x16384xi32, #tpu.memory_space<vmem>> -> memref<1x16384xi32, #tpu.memory_space<vmem>>
    %dma_wait3A_940 = tpu.memref_squeeze %dma_wait3A_939 : memref<1x16384xi32, #tpu.memory_space<vmem>> -> memref<16384xi32, #tpu.memory_space<vmem>>
    %dma_wait3A_941 = tpu.memref_slice %arg2[%add3A_4] : memref<1048576xi32, #tpu.memory_space<hbm>> -> memref<16384xi32, #tpu.memory_space<hbm>>
    tpu.wait_dma2 semaphore(%arg11 : memref<!tpu.dma_semaphore, #tpu.memory_space<semaphore_mem>>) src(%dma_wait3A_941 : memref<16384xi32, #tpu.memory_space<hbm>>) dst(%dma_wait3A_940 : memref<16384xi32, #tpu.memory_space<vmem>>)
    %dma_wait3A_942 = arith.constant 0 : i32
    %dma_wait3A_943 = arith.constant 0 : i32
    %dma_wait3A_944 = tpu.memref_slice %arg7[%dma_wait3A_942, %dma_wait3A_943] : memref<2x16384xi32, #tpu.memory_space<vmem>> -> memref<1x16384xi32, #tpu.memory_space<vmem>>
    %dma_wait3A_945 = tpu.memref_squeeze %dma_wait3A_944 : memref<1x16384xi32, #tpu.memory_space<vmem>> -> memref<16384xi32, #tpu.memory_space<vmem>>
    %dma_wait3A_946 = tpu.memref_slice %arg3[%add3A_14] : memref<1048576xi32, #tpu.memory_space<hbm>> -> memref<16384xi32, #tpu.memory_space<hbm>>
    %dma_wait3A_947 = arith.constant 0 : i32
    %dma_wait3A_948 = tpu.memref_slice %arg7[%dma_wait3A_942, %dma_wait3A_947] : memref<2x16384xi32, #tpu.memory_space<vmem>> -> memref<1x16384xi32, #tpu.memory_space<vmem>>
    %dma_wait3A_949 = tpu.memref_squeeze %dma_wait3A_948 : memref<1x16384xi32, #tpu.memory_space<vmem>> -> memref<16384xi32, #tpu.memory_space<vmem>>
    %dma_wait3A_950 = tpu.memref_slice %arg3[%add3A_14] : memref<1048576xi32, #tpu.memory_space<hbm>> -> memref<16384xi32, #tpu.memory_space<hbm>>
    tpu.wait_dma2 semaphore(%arg13 : memref<!tpu.dma_semaphore, #tpu.memory_space<semaphore_mem>>) src(%dma_wait3A_950 : memref<16384xi32, #tpu.memory_space<hbm>>) dst(%dma_wait3A_949 : memref<16384xi32, #tpu.memory_space<vmem>>)
    %add3A_951 = arith.constant 16384 : i32
    %add3A_952 = arith.addi %mul3A_2, %add3A_951 : i32
    %dma_start3A_953 = arith.constant 1 : i32
    %dma_start3A_954 = arith.constant 0 : i32
    %dma_start3A_955 = tpu.memref_slice %arg6[%dma_start3A_953, %dma_start3A_954] : memref<2x16384xi32, #tpu.memory_space<vmem>> -> memref<1x16384xi32, #tpu.memory_space<vmem>>
    %dma_start3A_956 = tpu.memref_squeeze %dma_start3A_955 : memref<1x16384xi32, #tpu.memory_space<vmem>> -> memref<16384xi32, #tpu.memory_space<vmem>>
    %dma_start3A_957 = tpu.memref_slice %arg2[%add3A_952] : memref<1048576xi32, #tpu.memory_space<hbm>> -> memref<16384xi32, #tpu.memory_space<hbm>>
    %dma_start3A_958 = arith.constant 0 : i32
    %dma_start3A_959 = tpu.memref_slice %arg6[%dma_start3A_953, %dma_start3A_958] : memref<2x16384xi32, #tpu.memory_space<vmem>> -> memref<1x16384xi32, #tpu.memory_space<vmem>>
    %dma_start3A_960 = tpu.memref_squeeze %dma_start3A_959 : memref<1x16384xi32, #tpu.memory_space<vmem>> -> memref<16384xi32, #tpu.memory_space<vmem>>
    %dma_start3A_961 = tpu.memref_slice %arg2[%add3A_952] : memref<1048576xi32, #tpu.memory_space<hbm>> -> memref<16384xi32, #tpu.memory_space<hbm>>
    tpu.enqueue_dma source(%dma_start3A_961 : memref<16384xi32, #tpu.memory_space<hbm>>) target(%dma_start3A_960 : memref<16384xi32, #tpu.memory_space<vmem>>) target_semaphore(%arg12 : memref<!tpu.dma_semaphore, #tpu.memory_space<semaphore_mem>>)
    %add3A_962 = arith.constant 16384 : i32
    %add3A_963 = arith.addi %mul3A_2, %add3A_962 : i32
    %dma_start3A_964 = arith.constant 1 : i32
    %dma_start3A_965 = arith.constant 0 : i32
    %dma_start3A_966 = tpu.memref_slice %arg7[%dma_start3A_964, %dma_start3A_965] : memref<2x16384xi32, #tpu.memory_space<vmem>> -> memref<1x16384xi32, #tpu.memory_space<vmem>>
    %dma_start3A_967 = tpu.memref_squeeze %dma_start3A_966 : memref<1x16384xi32, #tpu.memory_space<vmem>> -> memref<16384xi32, #tpu.memory_space<vmem>>
    %dma_start3A_968 = tpu.memref_slice %arg3[%add3A_963] : memref<1048576xi32, #tpu.memory_space<hbm>> -> memref<16384xi32, #tpu.memory_space<hbm>>
    %dma_start3A_969 = arith.constant 0 : i32
    %dma_start3A_970 = tpu.memref_slice %arg7[%dma_start3A_964, %dma_start3A_969] : memref<2x16384xi32, #tpu.memory_space<vmem>> -> memref<1x16384xi32, #tpu.memory_space<vmem>>
    %dma_start3A_971 = tpu.memref_squeeze %dma_start3A_970 : memref<1x16384xi32, #tpu.memory_space<vmem>> -> memref<16384xi32, #tpu.memory_space<vmem>>
    %dma_start3A_972 = tpu.memref_slice %arg3[%add3A_963] : memref<1048576xi32, #tpu.memory_space<hbm>> -> memref<16384xi32, #tpu.memory_space<hbm>>
    tpu.enqueue_dma source(%dma_start3A_972 : memref<16384xi32, #tpu.memory_space<hbm>>) target(%dma_start3A_971 : memref<16384xi32, #tpu.memory_space<vmem>>) target_semaphore(%arg14 : memref<!tpu.dma_semaphore, #tpu.memory_space<semaphore_mem>>)
    %parallel_loop3A = arith.constant 0 : i32
    %parallel_loop3A_973 = arith.constant 16384 : i32
    %parallel_loop3A_974 = arith.constant 16 : i32
    scf.for %parallel_loop3A_1036 = %parallel_loop3A to %parallel_loop3A_973 step %parallel_loop3A_974  : i32 {
      %parallel_loop3A_1037 = arith.constant 0 : i32
      %parallel_loop3A_1038 = arith.index_cast %parallel_loop3A_1037 : i32 to index
      %parallel_loop3A_1039 = arith.index_cast %parallel_loop3A_1036 : i32 to index
      %parallel_loop3A_1040 = tpu.vector_load %arg6[%parallel_loop3A_1038, %parallel_loop3A_1039] {strides = array<i32>} : memref<2x16384xi32, #tpu.memory_space<vmem>>, vector<16xi32>,
      %parallel_loop3A_1041 = arith.constant 16 : i32
      %parallel_loop3A_1042 = vector.broadcast %parallel_loop3A_1041 : i32 to vector<16xi32>
      %parallel_loop3A_1043 = arith.muli %parallel_loop3A_1040, %parallel_loop3A_1042 : vector<16xi32>
      %parallel_loop3A_1044 = arith.constant 0 : i32
      %parallel_loop3A_1045 = arith.index_cast %parallel_loop3A_1044 : i32 to index
      %parallel_loop3A_1046 = arith.index_cast %parallel_loop3A_1036 : i32 to index
      %parallel_loop3A_1047 = tpu.vector_load %arg7[%parallel_loop3A_1045, %parallel_loop3A_1046] {strides = array<i32>} : memref<2x16384xi32, #tpu.memory_space<vmem>>, vector<16xi32>,
      %parallel_loop3A_1048 = arith.addi %parallel_loop3A_1043, %parallel_loop3A_1047 : vector<16xi32>
      %parallel_loop3A_1049 = tpu.vector_load_idx %arg10[%parallel_loop3A_1048] : memref<256xf32, #tpu.memory_space<vmem>>[vector<16xi32>], vector<16xf32>,
      %parallel_loop3A_1050 = arith.constant 0 : i32
      %parallel_loop3A_1051 = arith.index_cast %parallel_loop3A_1050 : i32 to index
      %parallel_loop3A_1052 = arith.index_cast %parallel_loop3A_1036 : i32 to index
      %parallel_loop3A_1053 = tpu.vector_load %arg8[%parallel_loop3A_1051, %parallel_loop3A_1052] {strides = array<i32>} : memref<2x16384xf32, #tpu.memory_space<vmem>>, vector<16xf32>,
      tpu.vector_store %arg8[%parallel_loop3A_1051, %parallel_loop3A_1052], %parallel_loop3A_1049 {strides = array<i32>} : memref<2x16384xf32, #tpu.memory_space<vmem>>, vector<16xf32>,
    } {sc.loop_unroll_factor = 4 : i64, sc.parallel_access}
    %add3A_975 = arith.constant 0 : i32
    %add3A_976 = arith.addi %mul3A_2, %add3A_975 : i32
    %dma_start3A_977 = arith.constant 0 : i32
    %dma_start3A_978 = arith.constant 0 : i32
    %dma_start3A_979 = tpu.memref_slice %arg8[%dma_start3A_977, %dma_start3A_978] : memref<2x16384xf32, #tpu.memory_space<vmem>> -> memref<1x16384xf32, #tpu.memory_space<vmem>>
    %dma_start3A_980 = tpu.memref_squeeze %dma_start3A_979 : memref<1x16384xf32, #tpu.memory_space<vmem>> -> memref<16384xf32, #tpu.memory_space<vmem>>
    %dma_start3A_981 = tpu.memref_slice %arg5[%add3A_976] : memref<1048576xf32, #tpu.memory_space<hbm>> -> memref<16384xf32, #tpu.memory_space<hbm>>
    %dma_start3A_982 = tpu.memref_slice %arg5[%add3A_976] : memref<1048576xf32, #tpu.memory_space<hbm>> -> memref<16384xf32, #tpu.memory_space<hbm>>
    %dma_start3A_983 = arith.constant 0 : i32
    %dma_start3A_984 = tpu.memref_slice %arg8[%dma_start3A_977, %dma_start3A_983] : memref<2x16384xf32, #tpu.memory_space<vmem>> -> memref<1x16384xf32, #tpu.memory_space<vmem>>
    %dma_start3A_985 = tpu.memref_squeeze %dma_start3A_984 : memref<1x16384xf32, #tpu.memory_space<vmem>> -> memref<16384xf32, #tpu.memory_space<vmem>>
    tpu.enqueue_dma source(%dma_start3A_985 : memref<16384xf32, #tpu.memory_space<vmem>>) target(%dma_start3A_982 : memref<16384xf32, #tpu.memory_space<hbm>>) target_semaphore(%arg15 : memref<!tpu.dma_semaphore, #tpu.memory_space<semaphore_mem>>)
    %dma_wait3A_986 = arith.constant 1 : i32
    %dma_wait3A_987 = arith.constant 0 : i32
    %dma_wait3A_988 = tpu.memref_slice %arg6[%dma_wait3A_986, %dma_wait3A_987] : memref<2x16384xi32, #tpu.memory_space<vmem>> -> memref<1x16384xi32, #tpu.memory_space<vmem>>
    %dma_wait3A_989 = tpu.memref_squeeze %dma_wait3A_988 : memref<1x16384xi32, #tpu.memory_space<vmem>> -> memref<16384xi32, #tpu.memory_space<vmem>>
    %dma_wait3A_990 = tpu.memref_slice %arg2[%add3A_952] : memref<1048576xi32, #tpu.memory_space<hbm>> -> memref<16384xi32, #tpu.memory_space<hbm>>
    %dma_wait3A_991 = arith.constant 0 : i32
    %dma_wait3A_992 = tpu.memref_slice %arg6[%dma_wait3A_986, %dma_wait3A_991] : memref<2x16384xi32, #tpu.memory_space<vmem>> -> memref<1x16384xi32, #tpu.memory_space<vmem>>
    %dma_wait3A_993 = tpu.memref_squeeze %dma_wait3A_992 : memref<1x16384xi32, #tpu.memory_space<vmem>> -> memref<16384xi32, #tpu.memory_space<vmem>>
    %dma_wait3A_994 = tpu.memref_slice %arg2[%add3A_952] : memref<1048576xi32, #tpu.memory_space<hbm>> -> memref<16384xi32, #tpu.memory_space<hbm>>
    tpu.wait_dma2 semaphore(%arg12 : memref<!tpu.dma_semaphore, #tpu.memory_space<semaphore_mem>>) src(%dma_wait3A_994 : memref<16384xi32, #tpu.memory_space<hbm>>) dst(%dma_wait3A_993 : memref<16384xi32, #tpu.memory_space<vmem>>)
    %dma_wait3A_995 = arith.constant 1 : i32
    %dma_wait3A_996 = arith.constant 0 : i32
    %dma_wait3A_997 = tpu.memref_slice %arg7[%dma_wait3A_995, %dma_wait3A_996] : memref<2x16384xi32, #tpu.memory_space<vmem>> -> memref<1x16384xi32, #tpu.memory_space<vmem>>
    %dma_wait3A_998 = tpu.memref_squeeze %dma_wait3A_997 : memref<1x16384xi32, #tpu.memory_space<vmem>> -> memref<16384xi32, #tpu.memory_space<vmem>>
    %dma_wait3A_999 = tpu.memref_slice %arg3[%add3A_963] : memref<1048576xi32, #tpu.memory_space<hbm>> -> memref<16384xi32, #tpu.memory_space<hbm>>
    %dma_wait3A_1000 = arith.constant 0 : i32
    %dma_wait3A_1001 = tpu.memref_slice %arg7[%dma_wait3A_995, %dma_wait3A_1000] : memref<2x16384xi32, #tpu.memory_space<vmem>> -> memref<1x16384xi32, #tpu.memory_space<vmem>>
    %dma_wait3A_1002 = tpu.memref_squeeze %dma_wait3A_1001 : memref<1x16384xi32, #tpu.memory_space<vmem>> -> memref<16384xi32, #tpu.memory_space<vmem>>
    %dma_wait3A_1003 = tpu.memref_slice %arg3[%add3A_963] : memref<1048576xi32, #tpu.memory_space<hbm>> -> memref<16384xi32, #tpu.memory_space<hbm>>
    tpu.wait_dma2 semaphore(%arg14 : memref<!tpu.dma_semaphore, #tpu.memory_space<semaphore_mem>>) src(%dma_wait3A_1003 : memref<16384xi32, #tpu.memory_space<hbm>>) dst(%dma_wait3A_1002 : memref<16384xi32, #tpu.memory_space<vmem>>)
    %parallel_loop3A_1004 = arith.constant 0 : i32
    %parallel_loop3A_1005 = arith.constant 16384 : i32
    %parallel_loop3A_1006 = arith.constant 16 : i32
    scf.for %parallel_loop3A_1036 = %parallel_loop3A_1004 to %parallel_loop3A_1005 step %parallel_loop3A_1006  : i32 {
      %parallel_loop3A_1037 = arith.constant 1 : i32
      %parallel_loop3A_1038 = arith.index_cast %parallel_loop3A_1037 : i32 to index
      %parallel_loop3A_1039 = arith.index_cast %parallel_loop3A_1036 : i32 to index
      %parallel_loop3A_1040 = tpu.vector_load %arg6[%parallel_loop3A_1038, %parallel_loop3A_1039] {strides = array<i32>} : memref<2x16384xi32, #tpu.memory_space<vmem>>, vector<16xi32>,
      %parallel_loop3A_1041 = arith.constant 16 : i32
      %parallel_loop3A_1042 = vector.broadcast %parallel_loop3A_1041 : i32 to vector<16xi32>
      %parallel_loop3A_1043 = arith.muli %parallel_loop3A_1040, %parallel_loop3A_1042 : vector<16xi32>
      %parallel_loop3A_1044 = arith.constant 1 : i32
      %parallel_loop3A_1045 = arith.index_cast %parallel_loop3A_1044 : i32 to index
      %parallel_loop3A_1046 = arith.index_cast %parallel_loop3A_1036 : i32 to index
      %parallel_loop3A_1047 = tpu.vector_load %arg7[%parallel_loop3A_1045, %parallel_loop3A_1046] {strides = array<i32>} : memref<2x16384xi32, #tpu.memory_space<vmem>>, vector<16xi32>,
      %parallel_loop3A_1048 = arith.addi %parallel_loop3A_1043, %parallel_loop3A_1047 : vector<16xi32>
      %parallel_loop3A_1049 = tpu.vector_load_idx %arg10[%parallel_loop3A_1048] : memref<256xf32, #tpu.memory_space<vmem>>[vector<16xi32>], vector<16xf32>,
      %parallel_loop3A_1050 = arith.constant 1 : i32
      %parallel_loop3A_1051 = arith.index_cast %parallel_loop3A_1050 : i32 to index
      %parallel_loop3A_1052 = arith.index_cast %parallel_loop3A_1036 : i32 to index
      %parallel_loop3A_1053 = tpu.vector_load %arg8[%parallel_loop3A_1051, %parallel_loop3A_1052] {strides = array<i32>} : memref<2x16384xf32, #tpu.memory_space<vmem>>, vector<16xf32>,
      tpu.vector_store %arg8[%parallel_loop3A_1051, %parallel_loop3A_1052], %parallel_loop3A_1049 {strides = array<i32>} : memref<2x16384xf32, #tpu.memory_space<vmem>>, vector<16xf32>,
    } {sc.loop_unroll_factor = 4 : i64, sc.parallel_access}
    %add3A_1007 = arith.constant 16384 : i32
    %add3A_1008 = arith.addi %mul3A_2, %add3A_1007 : i32
    %dma_start3A_1009 = arith.constant 1 : i32
    %dma_start3A_1010 = arith.constant 0 : i32
    %dma_start3A_1011 = tpu.memref_slice %arg8[%dma_start3A_1009, %dma_start3A_1010] : memref<2x16384xf32, #tpu.memory_space<vmem>> -> memref<1x16384xf32, #tpu.memory_space<vmem>>
    %dma_start3A_1012 = tpu.memref_squeeze %dma_start3A_1011 : memref<1x16384xf32, #tpu.memory_space<vmem>> -> memref<16384xf32, #tpu.memory_space<vmem>>
    %dma_start3A_1013 = tpu.memref_slice %arg5[%add3A_1008] : memref<1048576xf32, #tpu.memory_space<hbm>> -> memref<16384xf32, #tpu.memory_space<hbm>>
    %dma_start3A_1014 = tpu.memref_slice %arg5[%add3A_1008] : memref<1048576xf32, #tpu.memory_space<hbm>> -> memref<16384xf32, #tpu.memory_space<hbm>>
    %dma_start3A_1015 = arith.constant 0 : i32
    %dma_start3A_1016 = tpu.memref_slice %arg8[%dma_start3A_1009, %dma_start3A_1015] : memref<2x16384xf32, #tpu.memory_space<vmem>> -> memref<1x16384xf32, #tpu.memory_space<vmem>>
    %dma_start3A_1017 = tpu.memref_squeeze %dma_start3A_1016 : memref<1x16384xf32, #tpu.memory_space<vmem>> -> memref<16384xf32, #tpu.memory_space<vmem>>
    tpu.enqueue_dma source(%dma_start3A_1017 : memref<16384xf32, #tpu.memory_space<vmem>>) target(%dma_start3A_1014 : memref<16384xf32, #tpu.memory_space<hbm>>) target_semaphore(%arg16 : memref<!tpu.dma_semaphore, #tpu.memory_space<semaphore_mem>>)
    %dma_wait3A_1018 = arith.constant 0 : i32
    %dma_wait3A_1019 = arith.constant 0 : i32
    %dma_wait3A_1020 = tpu.memref_slice %arg8[%dma_wait3A_1018, %dma_wait3A_1019] : memref<2x16384xf32, #tpu.memory_space<vmem>> -> memref<1x16384xf32, #tpu.memory_space<vmem>>
    %dma_wait3A_1021 = tpu.memref_squeeze %dma_wait3A_1020 : memref<1x16384xf32, #tpu.memory_space<vmem>> -> memref<16384xf32, #tpu.memory_space<vmem>>
    %dma_wait3A_1022 = tpu.memref_slice %arg5[%add3A_976] : memref<1048576xf32, #tpu.memory_space<hbm>> -> memref<16384xf32, #tpu.memory_space<hbm>>
    %dma_wait3A_1023 = tpu.memref_slice %arg5[%add3A_976] : memref<1048576xf32, #tpu.memory_space<hbm>> -> memref<16384xf32, #tpu.memory_space<hbm>>
    %dma_wait3A_1024 = arith.constant 0 : i32
    %dma_wait3A_1025 = tpu.memref_slice %arg8[%dma_wait3A_1018, %dma_wait3A_1024] : memref<2x16384xf32, #tpu.memory_space<vmem>> -> memref<1x16384xf32, #tpu.memory_space<vmem>>
    %dma_wait3A_1026 = tpu.memref_squeeze %dma_wait3A_1025 : memref<1x16384xf32, #tpu.memory_space<vmem>> -> memref<16384xf32, #tpu.memory_space<vmem>>
    tpu.wait_dma2 semaphore(%arg15 : memref<!tpu.dma_semaphore, #tpu.memory_space<semaphore_mem>>) src(%dma_wait3A_1026 : memref<16384xf32, #tpu.memory_space<vmem>>) dst(%dma_wait3A_1023 : memref<16384xf32, #tpu.memory_space<hbm>>)
    %dma_wait3A_1027 = arith.constant 1 : i32
    %dma_wait3A_1028 = arith.constant 0 : i32
    %dma_wait3A_1029 = tpu.memref_slice %arg8[%dma_wait3A_1027, %dma_wait3A_1028] : memref<2x16384xf32, #tpu.memory_space<vmem>> -> memref<1x16384xf32, #tpu.memory_space<vmem>>
    %dma_wait3A_1030 = tpu.memref_squeeze %dma_wait3A_1029 : memref<1x16384xf32, #tpu.memory_space<vmem>> -> memref<16384xf32, #tpu.memory_space<vmem>>
    %dma_wait3A_1031 = tpu.memref_slice %arg5[%add3A_1008] : memref<1048576xf32, #tpu.memory_space<hbm>> -> memref<16384xf32, #tpu.memory_space<hbm>>
    %dma_wait3A_1032 = tpu.memref_slice %arg5[%add3A_1008] : memref<1048576xf32, #tpu.memory_space<hbm>> -> memref<16384xf32, #tpu.memory_space<hbm>>
    %dma_wait3A_1033 = arith.constant 0 : i32
    %dma_wait3A_1034 = tpu.memref_slice %arg8[%dma_wait3A_1027, %dma_wait3A_1033] : memref<2x16384xf32, #tpu.memory_space<vmem>> -> memref<1x16384xf32, #tpu.memory_space<vmem>>
    %dma_wait3A_1035 = tpu.memref_squeeze %dma_wait3A_1034 : memref<1x16384xf32, #tpu.memory_space<vmem>> -> memref<16384xf32, #tpu.memory_space<vmem>>
    tpu.wait_dma2 semaphore(%arg16 : memref<!tpu.dma_semaphore, #tpu.memory_space<semaphore_mem>>) src(%dma_wait3A_1035 : memref<16384xf32, #tpu.memory_space<vmem>>) dst(%dma_wait3A_1032 : memref<16384xf32, #tpu.memory_space<hbm>>)
    return
  }
}

</mosaic_0001>

<sc_bundles>
// kernel: kernel.3.cloned.1.call-start
scs
__scs_entry_jumppad:
0x0: {  	(pc) =	sbr.rel $0x88, $3  }
0x1: {  	(tag) =	ssettag $0x0;
	lr =	simm.s32 $0x1  }
0x2: {  	[smem:$0x3F9E] =	sst lr;
	_ =	strace $0xD0000000  }
0x3: {  	_ = 	snop  }
0x4: {  	_ = 	snop  }
0x5: {  	_ = 	snop  }
0x6: {  	_ = 	snop  }
0x7: {  	_ = 	snop  }
__scs_overlays_trampoline_lowered:
0x8: {  	[smem:$0x3FAD] =	sst s0  }
0x9: {  	[smem:$0x3FAE] =	sst s1  }
0xa: {  	[smem:$0x3FAF] =	sst s2  }
0xb: {  	[smem:$0x3FB0] =	sst s3  }
0xc: {  	[smem:$0x3FB1] =	sst s4  }
0xd: {  	[smem:$0x3FB2] =	sst s5  }
0xe: {  	[smem:$0x3FB3] =	sst s6  }
0xf: {  	[smem:$0x3FB4] =	sst s7  }
0x10: {  	[smem:$0x3FB5] =	sst s8  }
0x11: {  	[smem:$0x3FB6] =	sst s9;
	s0 =	simm.s32 @!p0 $0x0  }
0x12: {  	s1 =	sld [smem:$0x3F9C];
	s0 =	simm.s32 @p0 $0x1  }
0x13: {  	[smem:$0x3FB7] =	sst s0;
	s0 =	simm.s32 @!p1 $0x0  }
0x14: {  	s2 =	sld [smem:$0x3F9B];
	s0 =	simm.s32 @p1 $0x1  }
0x15: {  	[smem:$0x3FB8] =	sst s0;
	s0 =	simm.s32 @!p2 $0x0  }
0x16: {  	s3 =	sld [smem:$0x3FDB];
	s0 =	simm.s32 @p2 $0x1  }
0x17: {  	s4 =	simm.s32 $0x1BF5;
	[smem:$0x3FBA] =	sst s0  }
0x18: {  	s0 =	sld [smem:$0x3F9D];
	_ =	swait.ge [sflag:s4], $0x0  }
0x19: {  	s7 =	sld [smem:$0x3F9E]  }
0x1a: {  	s8 =	sadd.s32 $0xFFFFE003, lr  }
0x1b: {  	s9 =	sadd.s32 $0xFFFFFEF7, lr;
	s5 =	simm.s32 $0xFFFFFFFF;
	p2 =	slt.u32 s8, $0xFFFFF086  }
0x1c: {  	p1 =	slt.u32 s9, $0xF7A;
	s5 =	simm.s32 @!p2 $0x0  }
0x1d: {  	s5 =	simm.s32 @p1 $0x1;
	p0 =	seq.s32 s7, s2  }
0x1e: {  	s7 =	smul.u32 @!p0 $0xF7A, s2;
	p2 =	seq.s32 @!p0 s5, $0x0  }
0x1f: {  	s9 =	smul.u32 $0xF7A, s1;
	s8 =	simm.s32 @!p0 $0x1BF5;
	p2 =	por !p2, p0  }
0x20: {  	[sflag:s8] =	ssyncset.s32 @!p0 $0xFFFFF086;
	s6 =	sadd.s32 @!p0 s3, s7;
	s7 =	simm.s32 @!p0 $0x108  }
0x21: {  	s3 =	sadd.s32 s3, s9;
	s6 =	sadd.s32 @!p0 $0x88, s6;
	s7 =	simm.s32 @p2 $0x1082  }
0x22: {  	[simem:s7], [sflag:s8] =	dma.local @!p0 [hbm:s6], $0xF7A  }
0x23: {  	s9 =	sor.u32 $0xD0000000, s2;
	s6 =	simm.s32 $0x108;
	_ =	swait.ge @!p0 [sflag:s8], $0x0  }
0x24: {  	s3 =	sadd.s32 $0x88, s3;
	s6 =	simm.s32 @!p1 $0x1082;
	[sflag:s4] =	ssyncset.s32 $0xFFFFF086  }
0x25: {  	[simem:s6], [sflag:s4] =	dma.local [hbm:s3], $0xF7A  }
0x26: {  	[smem:$0x3F9E] =	sst s1;
	(tag) =	ssettag s2;
	_ =	strace s9  }
0x27: {  	s1 =	sld [smem:$0x3FAE]  }
0x28: {  	s2 =	sld [smem:$0x3FAF]  }
0x29: {  	s4 =	sld [smem:$0x3FB1]  }
0x2a: {  	p0 =	seq.s32 s5, $0x0;
	s5 =	sld [smem:$0x3FB2]  }
0x2b: {  	s6 =	sld [smem:$0x3FB3]  }
0x2c: {  	s7 =	sld [smem:$0x3FB4]  }
0x2d: {  	s3 =	simm.s32 $0x108;
	s8 =	sld [smem:$0x3FB5]  }
0x2e: {  	s3 =	simm.s32 @!p0 $0x1082;
	s9 =	sld [smem:$0x3FB6]  }
0x2f: {  	lr =	sadd.s32 s0, s3;
	s0 =	sld [smem:$0x3FAD]  }
0x30: {  	s3 =	sld [smem:$0x3FB0]  }
0x31: {  	[smem:$0x3FB9] =	sst s10  }
0x32: {  	s10 =	sld [smem:$0x3FB7];
	_ =	sdelay $0x3  }
0x33: {  	p0 =	seq.s32 s10, $0x1;
	s10 =	sld [smem:$0x3FB9];
	_ =	sdelay $0x3  }
0x34: {  	[smem:$0x3FB9] =	sst s10  }
0x35: {  	s10 =	sld [smem:$0x3FB8];
	_ =	sdelay $0x3  }
0x36: {  	p1 =	seq.s32 s10, $0x1;
	s10 =	sld [smem:$0x3FB9];
	_ =	sdelay $0x3  }
0x37: {  	[smem:$0x3FB9] =	sst s10  }
0x38: {  	s10 =	sld [smem:$0x3FBA]  }
0x39: {  	_ = 	snop;
	(pc) =	sbr.ind lr, $3  }
0x3a: {  	_ = 	snop  }
0x3b: {  	_ = 	snop  }
0x3c: {  	p2 =	seq.s32 s10, $0x1;
	s10 =	sld [smem:$0x3FB9]  }
0x3d: {  	_ =	shalt  }
0x3e: {  	_ =	shalt  }
0x3f: {  	_ =	shalt  }
0x40: {  	_ =	shalt  }
0x41: {  	_ =	shalt  }
0x42: {  	_ =	shalt  }
0x43: {  	_ =	shalt  }
0x44: {  	_ =	shalt  }
0x45: {  	_ =	shalt  }
0x46: {  	_ =	shalt  }
0x47: {  	_ =	shalt  }
0x48: {  	_ =	shalt  }
0x49: {  	_ =	shalt  }
0x4a: {  	_ =	shalt  }
0x4b: {  	_ =	shalt  }
0x4c: {  	_ =	shalt  }
0x4d: {  	_ =	shalt  }
0x4e: {  	_ =	shalt  }
0x4f: {  	_ =	shalt  }
0x50: {  	_ =	shalt  }
0x51: {  	_ =	shalt  }
0x52: {  	_ =	shalt  }
0x53: {  	_ =	shalt  }
0x54: {  	_ =	shalt  }
0x55: {  	_ =	shalt  }
0x56: {  	_ =	shalt  }
0x57: {  	_ =	shalt  }
0x58: {  	_ =	shalt  }
0x59: {  	_ =	shalt  }
0x5a: {  	_ =	shalt  }
0x5b: {  	_ =	shalt  }
0x5c: {  	_ =	shalt  }
0x5d: {  	_ =	shalt  }
0x5e: {  	_ =	shalt  }
0x5f: {  	_ =	shalt  }
0x60: {  	_ =	shalt  }
0x61: {  	_ =	shalt  }
0x62: {  	_ =	shalt  }
0x63: {  	_ =	shalt  }
0x64: {  	_ =	shalt  }
0x65: {  	_ =	shalt  }
0x66: {  	_ =	shalt  }
0x67: {  	_ =	shalt  }
0x68: {  	_ =	shalt  }
0x69: {  	_ =	shalt  }
0x6a: {  	_ =	shalt  }
0x6b: {  	_ =	shalt  }
0x6c: {  	_ =	shalt  }
0x6d: {  	_ =	shalt  }
0x6e: {  	_ =	shalt  }
0x6f: {  	_ =	shalt  }
0x70: {  	_ =	shalt  }
0x71: {  	_ =	shalt  }
0x72: {  	_ =	shalt  }
0x73: {  	_ =	shalt  }
0x74: {  	_ =	shalt  }
0x75: {  	_ =	shalt  }
0x76: {  	_ =	shalt  }
0x77: {  	_ =	shalt  }
0x78: {  	_ =	shalt  }
0x79: {  	_ =	shalt  }
0x7a: {  	_ =	shalt  }
0x7b: {  	_ =	shalt  }
0x7c: {  	_ =	shalt  }
0x7d: {  	_ =	shalt  }
0x7e: {  	_ =	shalt  }
0x7f: {  	_ =	shalt  }
0x80: {  	_ =	shalt  }
0x81: {  	_ =	shalt  }
0x82: {  	_ =	shalt  }
0x83: {  	_ =	shalt  }
0x84: {  	_ =	shalt  }
0x85: {  	_ =	shalt  }
0x86: {  	_ =	shalt  }
0x87: {  	_ =	shalt  }
.Lfunc_end0:
.L_simem_size_0:
called_computation_lowered:
.L_overlay_start_0:
0x88: {  	s2 =	sld [smem:$0x3FD9]  }
0x89: {  	s3 =	sld [smem:$0x3FFE];
	_ =	sdelay $0x1  }
0x8a: {  	s1 =	srdreg.scid  }
0x8b: {  	s0 =	sand.u32 $0x1, s1  }
0x8c: {  	s18 =	sshll.u32 s0, $0xA;
	s2 =	sadd.s32 s3, s2  }
0x8d: {  	s2 =	sadd.s32 s2, s18  }
0x8e: {  	[smem:$0x3FC5] =	sst s2  }
0x8f: {  	_ = 	snop  }
0x90: {  	s2 =	sld [smem:$0x3FC9]  }
0x91: {  	s19 =	sld [smem:$0x3FC8]  }
0x92: {  	s4 =	sld [smem:$0x3FC7]  }
0x93: {  	s5 =	sld [smem:$0x3FD0];
	(tm) =	ssettm $0x1  }
0x94: {  	s6 =	sld [smem:$0x3FFB];
	_ =	sdelay $0x3  }
0x95: {  	_ =	strace s6  }
0x96: {  	s6 =	sld [smem:$0x3FFC];
	_ =	sdelay $0x3  }
0x97: {  	_ =	strace s6  }
0x98: {  	s6 =	sld [smem:$0x3FFD];
	_ =	sdelay $0x3  }
0x99: {  	_ =	strace s6  }
0x9a: {  	_ =	strace $0x8FFFFFFF  }
0x9b: {  	s20 =	sld [smem:$0x3FDB];
	_ =	sdelay $0x1  }
0x9c: {  	s7 =	simm.s32 $_scs_section_size  }
0x9d: {  	s8 =	simm.s32 $_size__tile_overlayer_lowered;
	s9 =	simm.s32 $_tile_overlayer_lowered  }
0x9e: {  	s23 =	simm.s32 $0x1BFF;
	s22 =	sshll.u32 s9, $0x1;
	s6 =	sadd.s32 s7, s20  }
0x9f: {  	s10 =	simm.s32 $0x0;
	s21 =	sshll.u32 s8, $0x1;
	s8 =	sadd.s32 s22, s6  }
0xa0: {  	[timem:s10], [sflag:s23] =	dma.local [hbm:s8], s21  }
0xa1: {  	_ =	swait.ge [sflag:s23], s21  }
0xa2: {  	s7 =	ssub.s32 $0x0, s21;
	[sflag:s23] =	ssyncset.done $0x0  }
0xa3: {  	[sflag:s23] =	ssyncadd.s32 s7;
	_ =	sdelay $0x1  }
0xa4: {  	s24 =	simm.s32 $0x1B8B  }
0xa5: {  	_ =	swait.ge [sflag:s24], $0x1  }
0xa6: {  	[sflag:s24] =	ssyncset.done $0x0  }
0xa7: {  	s25 =	simm.s32 $0x1B8E;
	[sflag:s24] =	ssyncadd.s32 $0xFFFFFFFF  }
0xa8: {  	s26 =	simm.s32 $execute0_lowered;
	[smem:$0x3FD2] =	sst s25  }
0xa9: {  	s7 =	sshll.u32 s26, $0x1;
	_ =	strace $0x80000046;
	[dreg:$0x1] =	wrdreg $0xFFFFFFFF  }
0xaa: {  	s28 =	simm.s32 $_size_execute0_lowered;
	s6 =	sadd.s32 s6, s7;
	[dreg:$0x0] =	wrdreg $0x0  }
0xab: {  	s7 =	sshll.u32 s28, $0x1;
	[dreg:$0x2] =	wrdreg s6  }
0xac: {  	[dreg:$0x3] =	wrdreg s7  }
0xad: {  	[dreg:$0x4] =	wrdreg $0xC0  }
0xae: {  	_ =	task [dreg:s10], $0x5FFFF  }
0xaf: {  	[dreg:$0x1] =	wrdreg $0xFFFFFFFF  }
0xb0: {  	[dreg:$0x0] =	wrdreg $0x60  }
0xb1: {  	[dreg:$0x2] =	wrdreg s2  }
0xb2: {  	[dreg:$0x3] =	wrdreg s19  }
0xb3: {  	[dreg:$0x4] =	wrdreg s4  }
0xb4: {  	[dreg:$0x5] =	wrdreg s5  }
0xb5: {  	[dreg:$0x6] =	wrdreg $0x9  }
0xb6: {  	_ =	task.clear_ibuf [dreg:s10], $0x7FFFF;
	_ =	strace $0x90000046  }
0xb7: {  	s29 =	simm.s32 $0x9;
	_ =	strace $0x80000048  }
0xb8: {  	_ =	swait.ge [sflag:s29], $0x1  }
0xb9: {  	[sflag:s29] =	ssyncadd.s32 $0xFFFFFFFF  }
0xba: {  	_ =	strace $0x90000048  }
0xbb: {  	_ =	sfence  }
0xbc: {  	s30 =	sld [smem:$0x0];
	_ =	sdelay $0x2  }
0xbd: {  	s31 =	sshll.u32 s1, $0xD;
	s1 =	sshrl.u32 s1, $0x2  }
0xbe: {  	s3 =	sand.u32 $0x4000, s31;
	s1 =	sadd.s32 s1, s30  }
0xbf: {  	s0 =	sor.u32 s3, s0;
	s1 =	sshll.u32 s1, $0x11  }
0xc0: {  	s0 =	sor.u32 s1, s0  }
0xc1: {  	s0 =	sadd.s32 $0x8F2B, s0  }
0xc2: {  	[sflag:s0] =	ssyncadd.remote.s32 $0x1  }
0xc3: {  	_ =	sfence.sel $0xFFFF  }
0xc4: {  	[dreg:$0x0] =	wrdreg $0xFFFFFFFF;
	(pc) =	sbr.abs _section_cstart, $3  }
0xc5: {  	[dreg:$0x1] =	wrdreg $0xFFFFFFFF  }
0xc6: {  	_ =	task.clear_ibuf [dreg:s10], $0x2FFFF;
	_ =	strace $0x9FFFFFFF  }
0xc7: {  	(tm) =	ssettm $0x7FFFFFFF  }
tec
execute0_lowered:
.L_overlay_start_1:
0x0: {  	(tag) =	ssettag $0x1  }
0x1: {  	s6 =	rddreg [dreg:$0x0]  }
0x2: {  	s7 =	rddreg [dreg:$0x1]  }
0x3: {  	s9 =	rddreg [dreg:$0x3]  }
0x4: {  	s2 =	srdreg.scid;
	s3 =	simm.s32 $0x0;
	s0 =	stileid.u32  }
0x5: {  	s12 =	simm.s32 $0x7;
	s13 =	simm.s32 $0x1;
	s14 =	simm.s32 $0x3  }
0x6: {  	s15 =	simm.s32 $0x18800;
	s16 =	simm.s32 $0x2;
	s17 =	simm.s32 $0x4  }
0x7: {  	s18 =	simm.s32 $0x5;
	s19 =	simm.s32 $0x6;
	s4 =	sand.u32 $0x1, s2  }
0x8: {  	s20 =	simm.s32 $0x0;
	[smem:$0x7FF] =	sst s3;
	s5 =	ssub.s32 $0x2, s4  }
0x9: {  	s10 =	sshll.u32 s0, $0xD;
	s4 =	sshll.u32 s4, $0xC;
	s8 =	sshrl.u32 s5, $0x1  }
0xa: {  	_ =	strace $0x80000047;
	s31 =	sor.u32 s4, s10;
	s11 =	ssub.s32 s5, s8  }
0xb: {  	s4 =	sadd.s32 s6, s31;
	s5 =	sadd.s32 s7, s31;
	s10 =	sor.u32 $0x800, s31  }
0xc: {  	s8 =	sadd.s32 s9, s31;
	s6 =	sadd.s32 s6, s10;
	s7 =	sadd.s32 s7, s10  }
0xd: {  	s9 =	sadd.s32 s9, s10;
	s10 =	smax.u32 s11, $0x1;
	s11 =	simm.s32 $0x18000  }
.LBB2_1:
0xe: {  	s21 =	simm.s32 $0x10  }
0xf: {  	s24 =	sadd.s32 $0x0, s4;
	s22 =	simm.s32 $0x100;
	s23 =	simm.s32 $0x0  }
.LBB2_2:
0x10: {  	[tilespmem:s23], [sflag:$0x1] =	stream.linear.gather [hbm4b:s24+s3], $0x80, $0x38;
	[tilespmem:$0x18900] =	vst v63  }
0x11: {  	s24 =	smov.u32 s21;
	s23 =	smov.u32 s22;
	p0 =	sne.s32 s21, $0x7F0  }
.Ltmp0:
0x12: {  	s21 =	sadd.s32 $0x10, s21;
	(pc) =	sbr.rel @p0 .LBB2_2-.Ltmp0, $2  }
0x13: {  	_ =	sdelay $0x2  }
0x14: {  	s22 =	sadd.s32 $0x100, s22;
	s24 =	sadd.s32 s24, s4  }
0x15: {  	[tilespmem:s23], [sflag:$0x1] =	stream.linear.gather [hbm4b:s24+s3], $0x80, $0x38;
	[tilespmem:$0x18900] =	vst v63  }
0x16: {  	s21 =	simm.s32 $0x8000  }
0x17: {  	s22 =	simm.s32 $0x10;
	s24 =	sadd.s32 $0x0, s5;
	s23 =	simm.s32 $0x8100  }
.LBB2_4:
0x18: {  	[tilespmem:s21], [sflag:$0x3] =	stream.linear.gather [hbm4b:s24+s3], $0x80, $0x38;
	[tilespmem:$0x18900] =	vst v63  }
0x19: {  	s24 =	smov.u32 s22;
	s21 =	smov.u32 s23;
	p0 =	sne.s32 s22, $0x7F0  }
.Ltmp1:
0x1a: {  	s22 =	sadd.s32 $0x10, s22;
	(pc) =	sbr.rel @p0 .LBB2_4-.Ltmp1, $2  }
0x1b: {  	_ =	sdelay $0x2  }
0x1c: {  	s23 =	sadd.s32 $0x100, s23;
	s24 =	sadd.s32 s24, s5  }
0x1d: {  	[tilespmem:s21], [sflag:$0x3] =	stream.linear.gather [hbm4b:s24+s3], $0x80, $0x38;
	[tilespmem:$0x18900] =	vst v63  }
0x1e: {  	s31 =	simm.s32 $0x0;
	s0 =	rddreg [dreg:$0x2]  }
0x1f: {  	[tilespmem:s11], [sflag:$0x7] =	stream.linear.gather [hbm4b:s0+s31], $0x800, $0x38;
	[tilespmem:$0x18900] =	vst v63  }
0x20: {  	_ =	swait.ge [sflag:s12], $0x800  }
0x21: {  	[sflag:s12] =	ssyncset.done $0x0  }
0x22: {  	[sflag:s12] =	ssyncadd.s32 $0xFFFFF800  }
0x23: {  	v0 =	vld [tilespmem:$0x18000]  }
0x24: {  	v1 =	vld [tilespmem:$0x18080]  }
0x25: {  	v2 =	vld [tilespmem:$0x18100]  }
0x26: {  	v3 =	vld [tilespmem:$0x18180]  }
0x27: {  	v5 =	vld [tilespmem:$0x18200]  }
0x28: {  	v6 =	vld [tilespmem:$0x18280]  }
0x29: {  	v7 =	vld [tilespmem:$0x18300]  }
0x2a: {  	v4 =	vld [tilespmem:$0x18010]  }
0x2b: {  	v8 =	vld [tilespmem:$0x18090]  }
0x2c: {  	v9 =	vld [tilespmem:$0x18110]  }
0x2d: {  	v10 =	vld [tilespmem:$0x18190]  }
0x2e: {  	v11 =	vld [tilespmem:$0x18210]  }
0x2f: {  	v12 =	vld [tilespmem:$0x18290]  }
0x30: {  	v13 =	vld [tilespmem:$0x18310]  }
0x31: {  	v14 =	vld [tilespmem:$0x18020]  }
0x32: {  	v15 =	vld [tilespmem:$0x180A0]  }
0x33: {  	v16 =	vld [tilespmem:$0x18120]  }
0x34: {  	v17 =	vld [tilespmem:$0x181A0]  }
0x35: {  	v18 =	vld [tilespmem:$0x18220]  }
0x36: {  	v19 =	vld [tilespmem:$0x182A0]  }
0x37: {  	v20 =	vld [tilespmem:$0x18320]  }
0x38: {  	v21 =	vld [tilespmem:$0x18030]  }
0x39: {  	v22 =	vld [tilespmem:$0x180B0]  }
0x3a: {  	v23 =	vld [tilespmem:$0x18130]  }
0x3b: {  	v24 =	vld [tilespmem:$0x181B0]  }
0x3c: {  	v25 =	vld [tilespmem:$0x18230]  }
0x3d: {  	v26 =	vld [tilespmem:$0x182B0]  }
0x3e: {  	v27 =	vld [tilespmem:$0x18330]  }
0x3f: {  	v28 =	vld [tilespmem:$0x18040]  }
0x40: {  	v29 =	vld [tilespmem:$0x180C0]  }
0x41: {  	v30 =	vld [tilespmem:$0x18140]  }
0x42: {  	v31 =	vld [tilespmem:$0x181C0]  }
0x43: {  	v32 =	vld [tilespmem:$0x18240]  }
0x44: {  	v33 =	vld [tilespmem:$0x182C0]  }
0x45: {  	v34 =	vld [tilespmem:$0x18340]  }
0x46: {  	v35 =	vld [tilespmem:$0x18050]  }
0x47: {  	v36 =	vld [tilespmem:$0x180D0]  }
0x48: {  	v37 =	vld [tilespmem:$0x18150]  }
0x49: {  	v38 =	vld [tilespmem:$0x181D0]  }
0x4a: {  	v39 =	vld [tilespmem:$0x18250]  }
0x4b: {  	v40 =	vld [tilespmem:$0x182D0]  }
0x4c: {  	v41 =	vld [tilespmem:$0x18350]  }
0x4d: {  	v42 =	vld [tilespmem:$0x18060]  }
0x4e: {  	v43 =	vld [tilespmem:$0x180E0]  }
0x4f: {  	v44 =	vld [tilespmem:$0x18160]  }
0x50: {  	v45 =	vld [tilespmem:$0x181E0]  }
0x51: {  	v46 =	vld [tilespmem:$0x18260]  }
0x52: {  	v47 =	vld [tilespmem:$0x182E0]  }
0x53: {  	v49 =	vld [tilespmem:$0x18070];
	v0 =	vmul.f32 $6.400000000e+01, v0  }
0x54: {  	v1 =	vmul.f32 $3.200000000e+01, v1;
	v48 =	vmul.f32 $6.400000000e+01, v4;
	v4 =	vld [tilespmem:$0x18360]  }
0x55: {  	v8 =	vmul.f32 $3.200000000e+01, v8;
	v52 =	vmul.f32 $1.600000000e+01, v9;
	v9 =	vld [tilespmem:$0x180F0]  }
0x56: {  	v62 =	vmul.f32 $1.600000000e+01, v2;
	v55 =	vmul.f32 $4.000000000e+00, v5;
	v5 =	vld [tilespmem:$0x18270]  }
0x57: {  	v53 =	vmul.f32 $8.000000000e+00, v3;
	v54 =	vmul.f32 $8.000000000e+00, v10;
	v10 =	vld [tilespmem:$0x182F0]  }
0x58: {  	v56 =	vmul.f32 $4.000000000e+00, v11;
	v57 =	vmul.f32 $6.400000000e+01, v14;
	v14 =	vld [tilespmem:$0x18370]  }
0x59: {  	v58 =	vmul.f32 $3.200000000e+01, v15;
	v59 =	vmul.f32 $6.400000000e+01, v21;
	v21 =	vld [tilespmem:$0x18400]  }
0x5a: {  	v60 =	vmul.f32 $3.200000000e+01, v22;
	v6 =	vadd.f32 v6, v6;
	v61 =	vmul.f32 $1.600000000e+01, v16;
	v16 =	vld [tilespmem:$0x18480]  }
0x5b: {  	v12 =	vadd.f32 v12, v12;
	v22 =	vld [tilespmem:$0x18500];
	v24 =	vmul.f32 $8.000000000e+00, v24;
	v19 =	vadd.f32 v19, v19  }
0x5c: {  	v15 =	vld [tilespmem:$0x18600];
	v50 =	vmul.f32 $4.000000000e+00, v18;
	v26 =	vadd.f32 v26, v26;
	v0 =	vadd.f32 v1, v0  }
0x5d: {  	v11 =	vld [tilespmem:$0x18680];
	v63 =	vadd.f32 v8, v48;
	v1 =	vadd.f32 v58, v57;
	v57 =	vmul.f32 $3.200000000e+01, v36  }
0x5e: {  	v48 =	vld [tilespmem:$0x18170];
	v3 =	vadd.f32 v60, v59;
	v59 =	vmul.f32 $1.600000000e+01, v30;
	v36 =	vmul.f32 $4.000000000e+00, v39  }
0x5f: {  	v8 =	vld [tilespmem:$0x181F0];
	v39 =	vmul.f32 $6.400000000e+01, v49;
	v0 =	vadd.f32 v62, v0;
	v62 =	vmul.f32 $1.600000000e+01, v23  }
0x60: {  	v58 =	vld [tilespmem:$0x18490];
	v2 =	vadd.f32 v52, v63;
	v23 =	vmul.f32 $8.000000000e+00, v17;
	v52 =	vmul.f32 $4.000000000e+00, v25  }
0x61: {  	v60 =	vld [tilespmem:$0x18510];
	v63 =	vadd.f32 v61, v1;
	v61 =	vmul.f32 $1.600000000e+01, v37;
	v37 =	vmul.f32 $6.400000000e+01, v42  }
0x62: {  	v30 =	vld [tilespmem:$0x184A0];
	v42 =	vadd.f32 v33, v33;
	v9 =	vmul.f32 $3.200000000e+01, v9;
	v10 =	vadd.f32 v10, v10  }
0x63: {  	v17 =	vld [tilespmem:$0x18580];
	v21 =	vmul.f32 $6.400000000e+01, v21;
	v11 =	vadd.f32 v11, v11;
	v0 =	vadd.f32 v53, v0  }
0x64: {  	v33 =	vld [tilespmem:$0x185A0];
	v16 =	vmul.f32 $3.200000000e+01, v16;
	v2 =	vadd.f32 v54, v2;
	v3 =	vadd.f32 v62, v3  }
0x65: {  	v53 =	vmul.f32 $6.400000000e+01, v28;
	v54 =	vmul.f32 $3.200000000e+01, v29;
	v28 =	vld [tilespmem:$0x18590];
	v9 =	vadd.f32 v9, v39  }
0x66: {  	v29 =	vld [tilespmem:$0x18690];
	v48 =	vmul.f32 $1.600000000e+01, v48;
	v16 =	vadd.f32 v16, v21;
	v0 =	vadd.f32 v55, v0  }
0x67: {  	v8 =	vmul.f32 $8.000000000e+00, v8;
	v21 =	vld [tilespmem:$0x18730];
	v2 =	vadd.f32 v56, v2;
	v51 =	vadd.f32 v24, v3  }
0x68: {  	v55 =	vld [tilespmem:$0x18410];
	v56 =	vmul.f32 $6.400000000e+01, v35;
	v9 =	vadd.f32 v48, v9;
	v0 =	vadd.f32 v6, v0  }
0x69: {  	v2 =	vadd.f32 v12, v2;
	v6 =	vadd.f32 v23, v63;
	v12 =	vld [tilespmem:$0x18700];
	v63 =	vmul.f32 $8.000000000e+00, v38  }
0x6a: {  	v3 =	vadd.f32 v57, v56;
	v38 =	vmul.f32 $3.200000000e+01, v43;
	v43 =	vmul.f32 $1.600000000e+01, v44;
	v56 =	vld [tilespmem:$0x185B0]  }
0x6b: {  	v44 =	vadd.f32 v40, v40;
	v57 =	vadd.f32 v47, v47;
	v40 =	vmul.f32 $3.200000000e+01, v30;
	v30 =	vld [tilespmem:$0x184F0]  }
0x6c: {  	v32 =	vmul.f32 $4.000000000e+00, v32;
	v1 =	vadd.f32 v0, v7;
	v0 =	vadd.f32 v2, v13;
	v13 =	vld [tilespmem:$0x18710]  }
0x6d: {  	v49 =	vmul.f32 $8.000000000e+00, v45;
	v8 =	vadd.f32 v8, v9;
	v2 =	vadd.f32 v52, v51;
	v51 =	vld [tilespmem:$0x18430]  }
0x6e: {  	v5 =	vmul.f32 $4.000000000e+00, v5;
	v29 =	vadd.f32 v29, v29;
	v6 =	vadd.f32 v50, v6;
	v52 =	vld [tilespmem:$0x184B0]  }
0x6f: {  	v7 =	vadd.f32 v54, v53;
	v23 =	vadd.f32 v61, v3;
	v50 =	vmul.f32 $4.000000000e+00, v46;
	v53 =	vld [tilespmem:$0x18530]  }
0x70: {  	v61 =	vld [tilespmem:$0x186B0];
	v5 =	vadd.f32 v5, v8;
	v54 =	vmul.f32 $6.400000000e+01, v55;
	v55 =	vmul.f32 $3.200000000e+01, v58  }
0x71: {  	v46 =	vld [tilespmem:$0x18450];
	v58 =	vmul.f32 $1.600000000e+01, v22;
	v6 =	vadd.f32 v19, v6;
	v7 =	vadd.f32 v59, v7  }
0x72: {  	v15 =	vmul.f32 $4.000000000e+00, v15;
	v19 =	vld [tilespmem:$0x18610];
	v2 =	vadd.f32 v26, v2;
	v35 =	vadd.f32 v63, v23  }
0x73: {  	v62 =	vmul.f32 $8.000000000e+00, v31;
	v26 =	vld [tilespmem:$0x18420];
	v8 =	vadd.f32 v55, v54;
	v16 =	vadd.f32 v58, v16  }
0x74: {  	v60 =	vmul.f32 $1.600000000e+01, v60;
	v59 =	vld [tilespmem:$0x18630];
	v5 =	vadd.f32 v10, v5;
	v3 =	vadd.f32 v6, v20  }
0x75: {  	v17 =	vmul.f32 $8.000000000e+00, v17;
	v63 =	vld [tilespmem:$0x18440];
	v31 =	vadd.f32 v62, v7;
	v2 =	vadd.f32 v2, v27  }
0x76: {  	v48 =	vmul.f32 $8.000000000e+00, v33;
	v20 =	vadd.f32 v36, v35;
	v7 =	vadd.f32 v38, v37;
	v36 =	vld [tilespmem:$0x18620]  }
0x77: {  	v62 =	vmul.f32 $8.000000000e+00, v28;
	v35 =	vld [tilespmem:$0x184C0];
	v8 =	vadd.f32 v60, v8;
	v28 =	vadd.f32 v17, v16  }
0x78: {  	v38 =	vld [tilespmem:$0x18540];
	v5 =	vadd.f32 v5, v14;
	v9 =	vmul.f32 $3.200000000e+01, v52;
	v58 =	vadd.f32 v61, v61  }
0x79: {  	v45 =	vmul.f32 $1.600000000e+01, v53;
	v61 =	vld [tilespmem:$0x184E0];
	v6 =	vadd.f32 v32, v31;
	v7 =	vadd.f32 v43, v7  }
0x7a: {  	v31 =	vld [tilespmem:$0x18520];
	v20 =	vadd.f32 v44, v20;
	v37 =	vmul.f32 $4.000000000e+00, v19;
	v39 =	vmul.f32 $6.400000000e+01, v26  }
0x7b: {  	v32 =	vld [tilespmem:$0x186A0];
	v8 =	vadd.f32 v62, v8;
	v54 =	vmul.f32 $4.000000000e+00, v59;
	v60 =	vmul.f32 $6.400000000e+01, v63  }
0x7c: {  	v43 =	vld [tilespmem:$0x18640];
	v62 =	vmul.f32 $6.400000000e+01, v46;
	v6 =	vadd.f32 v42, v6;
	v7 =	vadd.f32 v49, v7  }
0x7d: {  	v59 =	vld [tilespmem:$0x18460];
	v20 =	vadd.f32 v20, v41;
	v42 =	vmul.f32 $6.400000000e+01, v51;
	v8 =	vadd.f32 v37, v8  }
0x7e: {  	v49 =	vld [tilespmem:$0x184D0];
	v52 =	vmul.f32 $4.000000000e+00, v36;
	v16 =	vmul.f32 $3.200000000e+01, v35;
	v6 =	vadd.f32 v6, v34  }
0x7f: {  	v51 =	vld [tilespmem:$0x18550];
	v14 =	vmul.f32 $1.600000000e+01, v38;
	v7 =	vadd.f32 v50, v7;
	v9 =	vadd.f32 v9, v42  }
0x80: {  	v63 =	vld [tilespmem:$0x18470];
	v50 =	vmul.f32 $8.000000000e+00, v56;
	v44 =	vmul.f32 $1.600000000e+01, v31;
	v8 =	vadd.f32 v29, v8  }
0x81: {  	v41 =	vld [tilespmem:$0x185C0];
	v56 =	vadd.f32 v32, v32;
	v34 =	vmul.f32 $4.000000000e+00, v43;
	v7 =	vadd.f32 v57, v7  }
0x82: {  	v32 =	vld [tilespmem:$0x18560];
	v9 =	vadd.f32 v45, v9;
	v38 =	vmul.f32 $6.400000000e+01, v59;
	v8 =	vadd.f32 v8, v13  }
0x83: {  	v57 =	vld [tilespmem:$0x186D0];
	v17 =	vmul.f32 $3.200000000e+01, v49;
	v4 =	vadd.f32 v7, v4;
	v7 =	vadd.f32 v15, v28  }
0x84: {  	v53 =	vld [tilespmem:$0x185D0];
	v31 =	vmul.f32 $1.600000000e+01, v51;
	v15 =	vadd.f32 v40, v39;
	v9 =	vadd.f32 v50, v9  }
0x85: {  	v55 =	vld [tilespmem:$0x18650];
	v39 =	vmul.f32 $3.200000000e+01, v61;
	v10 =	vadd.f32 v17, v62;
	v7 =	vadd.f32 v11, v7  }
0x86: {  	v43 =	vmul.f32 $6.400000000e+01, v63;
	v28 =	vld [tilespmem:$0x186C0];
	v47 =	vadd.f32 v44, v15;
	v9 =	vadd.f32 v54, v9  }
0x87: {  	v36 =	vld [tilespmem:$0x185E0];
	v33 =	vmul.f32 $8.000000000e+00, v41;
	v44 =	vadd.f32 v39, v38;
	v10 =	vadd.f32 v31, v10  }
0x88: {  	v23 =	vld [tilespmem:$0x18720];
	v45 =	vmul.f32 $1.600000000e+01, v32;
	v54 =	vadd.f32 v57, v57;
	v7 =	vadd.f32 v7, v12  }
0x89: {  	v35 =	vld [tilespmem:$0x18570];
	v15 =	vmul.f32 $8.000000000e+00, v53;
	v11 =	vadd.f32 v48, v47;
	v9 =	vadd.f32 v58, v9  }
0x8a: {  	[tilespmem:$0x18820] =	vst v3;
	v42 =	vld [tilespmem:$0x18660];
	v13 =	vmul.f32 $4.000000000e+00, v55;
	v12 =	vadd.f32 v16, v60;
	v3 =	vadd.f32 v45, v44  }
0x8b: {  	v40 =	vld [tilespmem:$0x185F0];
	v16 =	vmul.f32 $3.200000000e+01, v30;
	v41 =	vadd.f32 v15, v10;
	v50 =	vadd.f32 v28, v28  }
0x8c: {  	[tilespmem:$0x18800] =	vst v1;
	v51 =	vmul.f32 $8.000000000e+00, v36;
	v48 =	vld [tilespmem:$0x186E0];
	v11 =	vadd.f32 v52, v11;
	v9 =	vadd.f32 v9, v21  }
0x8d: {  	[tilespmem:$0x18810] =	vst v0;
	v46 =	vld [tilespmem:$0x18670];
	v12 =	vadd.f32 v14, v12;
	v47 =	vadd.f32 v16, v43  }
0x8e: {  	[tilespmem:$0x18830] =	vst v2;
	v49 =	vmul.f32 $1.600000000e+01, v35;
	v52 =	vld [tilespmem:$0x186F0];
	v3 =	vadd.f32 v51, v3;
	v0 =	vadd.f32 v13, v41  }
0x8f: {  	[tilespmem:$0x18870] =	vst v5;
	v11 =	vadd.f32 v56, v11;
	v37 =	vadd.f32 v33, v12  }
0x90: {  	[tilespmem:$0x18850] =	vst v20;
	v55 =	vld [tilespmem:$0x18750];
	v18 =	vmul.f32 $8.000000000e+00, v40;
	v2 =	vadd.f32 v49, v47;
	v0 =	vadd.f32 v54, v0  }
0x91: {  	[tilespmem:$0x18840] =	vst v6;
	v53 =	vld [tilespmem:$0x18740];
	v56 =	vmul.f32 $4.000000000e+00, v42;
	v59 =	vadd.f32 v48, v48;
	v11 =	vadd.f32 v11, v23  }
0x92: {  	[tilespmem:$0x18890] =	vst v8;
	v57 =	vld [tilespmem:$0x18760];
	v58 =	vmul.f32 $4.000000000e+00, v46;
	v1 =	vadd.f32 v34, v37;
	v2 =	vadd.f32 v18, v2  }
0x93: {  	[tilespmem:$0x18860] =	vst v4;
	v60 =	vld [tilespmem:$0x18770];
	v3 =	vadd.f32 v56, v3;
	v61 =	vadd.f32 v52, v52  }
0x94: {  	[tilespmem:$0x18880] =	vst v7;
	v1 =	vadd.f32 v50, v1;
	v2 =	vadd.f32 v58, v2  }
0x95: {  	[tilespmem:$0x188B0] =	vst v9;
	v0 =	vadd.f32 v0, v55;
	v3 =	vadd.f32 v59, v3  }
0x96: {  	[tilespmem:$0x188A0] =	vst v11;
	v1 =	vadd.f32 v1, v53;
	v2 =	vadd.f32 v61, v2  }
0x97: {  	[tilespmem:$0x188D0] =	vst v0;
	v62 =	vadd.f32 v3, v57  }
0x98: {  	[tilespmem:$0x188C0] =	vst v1;
	v63 =	vadd.f32 v2, v60  }
0x99: {  	[tilespmem:$0x188E0] =	vst v62  }
0x9a: {  	[tilespmem:$0x188F0] =	vst v63  }
0x9b: {  	_ =	swait.ge [sflag:s13], $0x4000  }
0x9c: {  	[sflag:s13] =	ssyncset.done $0x0  }
0x9d: {  	[sflag:s13] =	ssyncadd.s32 $0xFFFFC000  }
0x9e: {  	_ =	swait.ge [sflag:s14], $0x4000  }
0x9f: {  	s21 =	simm.s32 $0x80;
	s22 =	simm.s32 $0x10;
	[sflag:s14] =	ssyncset.done $0x0  }
0xa0: {  	s24 =	sadd.s32 $0x0, s6;
	s23 =	simm.s32 $0x180;
	[sflag:s14] =	ssyncadd.s32 $0xFFFFC000  }
.LBB2_6:
0xa1: {  	[tilespmem:s21], [sflag:$0x2] =	stream.linear.gather [hbm4b:s24+s3], $0x80, $0x38;
	[tilespmem:$0x18900] =	vst v63  }
0xa2: {  	s24 =	smov.u32 s22;
	s21 =	smov.u32 s23;
	p0 =	sne.s32 s22, $0x7F0  }
.Ltmp2:
0xa3: {  	s22 =	sadd.s32 $0x10, s22;
	(pc) =	sbr.rel @p0 .LBB2_6-.Ltmp2, $2  }
0xa4: {  	_ =	sdelay $0x2  }
0xa5: {  	s23 =	sadd.s32 $0x100, s23;
	s24 =	sadd.s32 s24, s6  }
0xa6: {  	[tilespmem:s21], [sflag:$0x2] =	stream.linear.gather [hbm4b:s24+s3], $0x80, $0x38;
	[tilespmem:$0x18900] =	vst v63  }
0xa7: {  	s21 =	simm.s32 $0x0;
	s22 =	simm.s32 $0x8080;
	s23 =	simm.s32 $0x0  }
.LBB2_8:
0xa8: {  	p0 =	sne.s32 s23, $0x7F0  }
.Ltmp3:
0xa9: {  	_ = 	snop;
	(pc) =	sbr.rel @p0 .LBB2_8-.Ltmp3, $4  }
0xaa: {  	_ = 	snop  }
0xab: {  	s24 =	sadd.s32 s23, s7  }
0xac: {  	[tilespmem:s22], [sflag:$0x4] =	stream.linear.gather [hbm4b:s24+s21], $0x80, $0x38;
	[tilespmem:$0x18900] =	vst v63  }
0xad: {  	s23 =	sadd.s32 $0x10, s23;
	s22 =	sadd.s32 $0x100, s22  }
0xae: {  	s22 =	simm.s32 $0x0  }
0xaf: {  	s21 =	sand.u32 $0x7F00, s21;
	s22 =	sand.u32 $0x40, s22  }
0xb0: {  	s21 =	sor.u32 s22, s21  }
0xb1: {  	v0 =	vld [tilespmem:s21+$0x30]  }
0xb2: {  	v1 =	vld [tilespmem:s21+$0x8030]  }
0xb3: {  	v2 =	vld [tilespmem:s21+$0x0]  }
0xb4: {  	v4 =	vld [tilespmem:s21+$0x10]  }
0xb5: {  	s23 =	simm.s32 $0x40;
	s24 =	simm.s32 $0x80;
	v3 =	vld [tilespmem:s21+$0x8000]  }
0xb6: {  	s31 =	sand.u32 $0x40, s23;
	s25 =	sand.u32 $0x7F00, s24;
	v5 =	vld [tilespmem:s21+$0x8010];
	v0 =	vshll.u32 v0, $0x4  }
0xb7: {  	s22 =	sor.u32 s31, s25;
	v6 =	vld [tilespmem:s21+$0x8020];
	v0 =	vadd.s32 v1, v0  }
0xb8: {  	v7 =	vld [tilespmem:s22+$0x30]  }
0xb9: {  	v1 =	vld [tilespmem:s21+$0x20]  }
0xba: {  	v9 =	vld [tilespmem:s22+$0x8030]  }
0xbb: {  	v10 =	vld [tilespmem:s22+$0x0]  }
0xbc: {  	v8 =	vld.idx.msk [tilespmem:v0+s15+$0x0], $0xffff;
	v0 =	vshll.u32 v2, $0x4  }
0xbd: {  	v12 =	vld [tilespmem:s22+$0x10];
	v11 =	vadd.s32 v3, v0;
	v0 =	vshll.u32 v4, $0x4  }
0xbe: {  	v2 =	vld [tilespmem:s22+$0x20];
	v13 =	vshll.u32 v1, $0x4;
	v1 =	vadd.s32 v5, v0  }
0xbf: {  	v3 =	vld [tilespmem:s22+$0x8000];
	v0 =	vadd.s32 v6, v13;
	v5 =	vshll.u32 v7, $0x4  }
0xc0: {  	v4 =	vld [tilespmem:s22+$0x8010];
	v6 =	vadd.s32 v9, v5  }
0xc1: {  	v7 =	vld [tilespmem:s22+$0x8020]  }
0xc2: {  	v9 =	vshll.u32 v10, $0x4;
	[tilespmem:s21+$0x10030] =	vst v8;
	v8 =	vshll.u32 v12, $0x4;
	v5 =	vld.idx.msk [tilespmem:v11+s15+$0x0], $0xffff  }
.LBB2_10:
0xc3: {  	s23 =	sadd.s32 $0x40, s23;
	v2 =	vshll.u32 v2, $0x4;
	s24 =	sadd.s32 $0x80, s24;
	v10 =	vld.idx.msk [tilespmem:v1+s15+$0x0], $0xffff  }
0xc4: {  	s25 =	sand.u32 $0x40, s23;
	s26 =	sand.u32 $0x7F00, s24;
	p0 =	slt.u32 s23, $0x3FC0;
	v11 =	vadd.s32 v3, v9;
	v3 =	vld.idx.msk [tilespmem:v0+s15+$0x0], $0xffff  }
0xc5: {  	s25 =	sor.u32 s25, s26;
	v1 =	vadd.s32 v4, v8;
	v4 =	vld.idx.msk [tilespmem:v6+s15+$0x0], $0xffff  }
0xc6: {  	v6 =	vld [tilespmem:s25+$0x30];
	v0 =	vadd.s32 v7, v2  }
0xc7: {  	v7 =	vld [tilespmem:s25+$0x8030]  }
0xc8: {  	v8 =	vld [tilespmem:s25+$0x0];
	[tilespmem:s21+$0x10000] =	vst v5  }
0xc9: {  	v5 =	vld [tilespmem:s25+$0x10];
	[tilespmem:s21+$0x10010] =	vst v10  }
.Ltmp4:
0xca: {  	v2 =	vld [tilespmem:s25+$0x20];
	[tilespmem:s21+$0x10020] =	vst v3;
	s21 =	smov.u32 s22;
	s22 =	smov.u32 s25;
	(pc) =	sbr.rel @p0 .LBB2_10-.Ltmp4, $4  }
0xcb: {  	v3 =	vld [tilespmem:s22+$0x8000];
	v6 =	vshll.u32 v6, $0x4;
	[tilespmem:s21+$0x10030] =	vst v4  }
0xcc: {  	v4 =	vld [tilespmem:s22+$0x8010];
	v6 =	vadd.s32 v7, v6  }
0xcd: {  	v9 =	vshll.u32 v8, $0x4;
	v7 =	vld [tilespmem:s22+$0x8020]  }
0xce: {  	v8 =	vshll.u32 v5, $0x4;
	v5 =	vld.idx.msk [tilespmem:v11+s15+$0x0], $0xffff  }
0xcf: {  	_ =	sdelay $0x1  }
0xd0: {  	v3 =	vadd.s32 v3, v9  }
0xd1: {  	v2 =	vshll.u32 v2, $0x4;
	v4 =	vadd.s32 v4, v8  }
0xd2: {  	v1 =	vld.idx.msk [tilespmem:v1+s15+$0x0], $0xffff;
	v2 =	vadd.s32 v7, v2  }
0xd3: {  	v0 =	vld.idx.msk [tilespmem:v0+s15+$0x0], $0xffff  }
0xd4: {  	v6 =	vld.idx.msk [tilespmem:v6+s15+$0x0], $0xffff  }
0xd5: {  	v3 =	vld.idx.msk [tilespmem:v3+s15+$0x0], $0xffff  }
0xd6: {  	[tilespmem:s21+$0x10000] =	vst v5;
	v4 =	vld.idx.msk [tilespmem:v4+s15+$0x0], $0xffff  }
0xd7: {  	[tilespmem:s21+$0x10010] =	vst v1;
	v63 =	vld.idx.msk [tilespmem:v2+s15+$0x0], $0xffff  }
0xd8: {  	[tilespmem:s21+$0x10020] =	vst v0  }
0xd9: {  	[tilespmem:s22+$0x10030] =	vst v6  }
0xda: {  	[tilespmem:s22+$0x10000] =	vst v3  }
0xdb: {  	s24 =	sadd.s32 $0x0, s8;
	[tilespmem:s22+$0x10010] =	vst v4  }
0xdc: {  	s23 =	simm.s32 $0x10100;
	s21 =	simm.s32 $0x10000;
	[tilespmem:s22+$0x10020] =	vst v63;
	s22 =	simm.s32 $0x10  }
.LBB2_12:
0xdd: {  	[hbm4b:s24+s3] =	stream.linear.scatter [tilespmem:s21], [sflag:$0x5], $0x80, $0x38;
	[tilespmem:$0x18900] =	vst v63  }
0xde: {  	s24 =	smov.u32 s22;
	s21 =	smov.u32 s23;
	p0 =	sne.s32 s22, $0x7F0  }
.Ltmp5:
0xdf: {  	s22 =	sadd.s32 $0x10, s22;
	(pc) =	sbr.rel @p0 .LBB2_12-.Ltmp5, $2  }
0xe0: {  	_ =	sdelay $0x2  }
0xe1: {  	s23 =	sadd.s32 $0x100, s23;
	s24 =	sadd.s32 s24, s8  }
0xe2: {  	[hbm4b:s24+s3] =	stream.linear.scatter [tilespmem:s21], [sflag:$0x5], $0x80, $0x38;
	[tilespmem:$0x18900] =	vst v63  }
0xe3: {  	_ =	swait.ge [sflag:s16], $0x4000  }
0xe4: {  	p0 =	por $0x0, $0x0;
	s21 =	simm.s32 $0x1;
	[sflag:s16] =	ssyncset.done $0x0  }
0xe5: {  	s21 =	simm.s32 @!p0 $0x0;
	[sflag:s16] =	ssyncadd.s32 $0xFFFFC000  }
0xe6: {  	s21 =	sshll.u32 s21, $0x6;
	_ =	swait.ge [sflag:s17], $0x4000  }
0xe7: {  	s23 =	sadd.s32 $0x0, s21;
	[sflag:s17] =	ssyncset.done $0x0  }
0xe8: {  	s29 =	sor.u32 $0xB0, s23;
	[sflag:s17] =	ssyncadd.s32 $0xFFFFC000  }
0xe9: {  	v0 =	vld [tilespmem:s29+$0x0]  }
0xea: {  	s22 =	sor.u32 $0x80, s23;
	v1 =	vld [tilespmem:s29+$0x8000]  }
0xeb: {  	s24 =	simm.s32 $0x1;
	p0 =	por !p0, !p0;
	s21 =	sor.u32 $0x90, s23;
	v2 =	vld [tilespmem:s22+$0x0]  }
0xec: {  	s24 =	simm.s32 @!p0 $0x0;
	v5 =	vld [tilespmem:s21+$0x0]  }
0xed: {  	s24 =	sshll.u32 s24, $0x6;
	v6 =	vld [tilespmem:s22+$0x8000]  }
0xee: {  	s23 =	sor.u32 $0xA0, s23;
	s28 =	sadd.s32 $0x80, s24;
	v7 =	vld [tilespmem:s21+$0x8000];
	v0 =	vshll.u32 v0, $0x4  }
0xef: {  	s24 =	sor.u32 $0xB0, s28;
	v8 =	vld [tilespmem:s23+$0x8000];
	v0 =	vadd.s32 v1, v0  }
0xf0: {  	v10 =	vld [tilespmem:s24+$0x0]  }
0xf1: {  	v11 =	vld [tilespmem:s24+$0x8000]  }
0xf2: {  	s25 =	sor.u32 $0x80, s28;
	v1 =	vld [tilespmem:s23+$0x0]  }
0xf3: {  	v12 =	vld [tilespmem:s25+$0x0]  }
0xf4: {  	s26 =	sor.u32 $0x90, s28;
	v9 =	vld.idx.msk [tilespmem:v0+s15+$0x0], $0xffff  }
0xf5: {  	s28 =	sor.u32 $0xA0, s28;
	v4 =	vld [tilespmem:s26+$0x0];
	v0 =	vshll.u32 v2, $0x4  }
0xf6: {  	v3 =	vld [tilespmem:s28+$0x0];
	v2 =	vshll.u32 v5, $0x4;
	v0 =	vadd.s32 v6, v0  }
0xf7: {  	v5 =	vld [tilespmem:s25+$0x8000];
	v13 =	vshll.u32 v1, $0x4;
	v1 =	vadd.s32 v7, v2  }
0xf8: {  	v7 =	vshll.u32 v10, $0x4;
	v6 =	vld [tilespmem:s26+$0x8000];
	v2 =	vadd.s32 v8, v13  }
0xf9: {  	s30 =	simm.s32 $0x80;
	p0 =	por !p0, !p0;
	v8 =	vld [tilespmem:s28+$0x8000];
	v7 =	vadd.s32 v11, v7;
	[tilespmem:s29+$0x10000] =	vst v9;
	s29 =	simm.s32 $0x40;
	v9 =	vshll.u32 v12, $0x4  }
.LBB2_14:
0xfa: {  	s31 =	simm.s32 $0x1  }
0xfb: {  	s29 =	sadd.s32 $0x40, s29;
	v4 =	vshll.u32 v4, $0x4;
	v10 =	vld.idx.msk [tilespmem:v0+s15+$0x0], $0xffff;
	s31 =	simm.s32 @!p0 $0x0  }
0xfc: {  	s30 =	sadd.s32 $0x80, s30;
	p1 =	slt.u32 s29, $0x3FC0;
	v3 =	vshll.u32 v3, $0x4;
	s31 =	sshll.u32 s31, $0x6;
	v11 =	vld.idx.msk [tilespmem:v1+s15+$0x0], $0xffff  }
0xfd: {  	v0 =	vadd.s32 v5, v9;
	s31 =	sadd.s32 s31, s30;
	v5 =	vld.idx.msk [tilespmem:v2+s15+$0x0], $0xffff  }
0xfe: {  	v1 =	vadd.s32 v6, v4;
	s0 =	sor.u32 $0x80, s31;
	s2 =	sor.u32 $0x90, s31;
	s1 =	sor.u32 $0xB0, s31;
	v6 =	vld.idx.msk [tilespmem:v7+s15+$0x0], $0xffff  }
0xff: {  	s31 =	sor.u32 $0xA0, s31;
	v2 =	vadd.s32 v8, v3;
	v7 =	vld [tilespmem:s1+$0x0]  }
0x100: {  	v8 =	vld [tilespmem:s1+$0x8000]  }
0x101: {  	v9 =	vld [tilespmem:s0+$0x0];
	[tilespmem:s22+$0x10000] =	vst v10;
	s22 =	smov.u32 s25;
	s25 =	smov.u32 s0  }
.Ltmp6:
0x102: {  	v4 =	vld [tilespmem:s2+$0x0];
	[tilespmem:s21+$0x10000] =	vst v11;
	s21 =	smov.u32 s26;
	s26 =	smov.u32 s2;
	(pc) =	sbr.rel @p1 .LBB2_14-.Ltmp6, $4  }
0x103: {  	v3 =	vld [tilespmem:s31+$0x0];
	[tilespmem:s23+$0x10000] =	vst v5;
	s23 =	smov.u32 s28;
	s28 =	smov.u32 s31  }
0x104: {  	v5 =	vld [tilespmem:s25+$0x8000];
	v7 =	vshll.u32 v7, $0x4;
	[tilespmem:s24+$0x10000] =	vst v6;
	s24 =	smov.u32 s1  }
0x105: {  	v6 =	vld [tilespmem:s26+$0x8000];
	v7 =	vadd.s32 v8, v7  }
0x106: {  	p0 =	por !p0, !p0;
	v9 =	vshll.u32 v9, $0x4;
	v8 =	vld [tilespmem:s28+$0x8000]  }
0x107: {  	_ =	sdelay $0x2  }
0x108: {  	v4 =	vshll.u32 v4, $0x4;
	v5 =	vadd.s32 v5, v9  }
0x109: {  	v0 =	vld.idx.msk [tilespmem:v0+s15+$0x0], $0xffff;
	v3 =	vshll.u32 v3, $0x4;
	v4 =	vadd.s32 v6, v4  }
0x10a: {  	v1 =	vld.idx.msk [tilespmem:v1+s15+$0x0], $0xffff;
	v3 =	vadd.s32 v8, v3  }
0x10b: {  	v2 =	vld.idx.msk [tilespmem:v2+s15+$0x0], $0xffff  }
0x10c: {  	v61 =	vld.idx.msk [tilespmem:v7+s15+$0x0], $0xffff  }
0x10d: {  	v5 =	vld.idx.msk [tilespmem:v5+s15+$0x0], $0xffff  }
0x10e: {  	[tilespmem:s22+$0x10000] =	vst v0;
	v62 =	vld.idx.msk [tilespmem:v4+s15+$0x0], $0xffff  }
0x10f: {  	[tilespmem:s21+$0x10000] =	vst v1;
	v63 =	vld.idx.msk [tilespmem:v3+s15+$0x0], $0xffff  }
0x110: {  	[tilespmem:s23+$0x10000] =	vst v2  }
0x111: {  	[tilespmem:s24+$0x10000] =	vst v61  }
0x112: {  	[tilespmem:s25+$0x10000] =	vst v5  }
0x113: {  	s21 =	simm.s32 $0x10080;
	[tilespmem:s26+$0x10000] =	vst v62  }
0x114: {  	s22 =	simm.s32 $0x10;
	s24 =	sadd.s32 $0x0, s9;
	s23 =	simm.s32 $0x10180;
	[tilespmem:s28+$0x10000] =	vst v63  }
.LBB2_16:
0x115: {  	[hbm4b:s24+s3] =	stream.linear.scatter [tilespmem:s21], [sflag:$0x6], $0x80, $0x38;
	[tilespmem:$0x18900] =	vst v63  }
0x116: {  	s0 =	smov.u32 s22;
	s21 =	smov.u32 s23;
	p0 =	sne.s32 s22, $0x7F0  }
.Ltmp7:
0x117: {  	s22 =	sadd.s32 $0x10, s22;
	(pc) =	sbr.rel @p0 .LBB2_16-.Ltmp7, $2  }
0x118: {  	_ =	sdelay $0x2  }
0x119: {  	s23 =	sadd.s32 $0x100, s23;
	s24 =	sadd.s32 s0, s9  }
0x11a: {  	[hbm4b:s24+s3] =	stream.linear.scatter [tilespmem:s21], [sflag:$0x6], $0x80, $0x38;
	[tilespmem:$0x18900] =	vst v63  }
0x11b: {  	s20 =	sadd.s32 $0x1, s20  }
0x11c: {  	_ =	swait.ge [sflag:s18], $0x4000;
	p0 =	sne.s32 s20, s10  }
.Ltmp8:
0x11d: {  	[sflag:s18] =	ssyncset.done $0x0;
	(pc) =	sbr.rel @p0 .LBB2_1-.Ltmp8, $4  }
0x11e: {  	[sflag:s18] =	ssyncadd.s32 $0xFFFFC000  }
0x11f: {  	_ =	swait.ge [sflag:s19], $0x4000  }
0x120: {  	[sflag:s19] =	ssyncset.done $0x0  }
0x121: {  	[sflag:s19] =	ssyncadd.s32 $0xFFFFC000  }
0x122: {  	_ =	sfence.sel $0x180000  }
0x123: {  	[bflag:$0x0] =	sbarrier.arrive $0xFFFF  }
0x124: {  	_ =	strace $0x90000047  }
0x125: {  	s0 =	stileid.u32;
	[bflag:$0x2] =	sbarrier.arrive $0xFFFF  }
0x126: {  	p0 =	sne.s32 s0, $0x0;
	s0 =	rddreg [dreg:$0x4]  }
0x127: {  	s0 =	sadd.s32 @!p0 $0x100000, s0  }
0x128: {  	[sflag:s0] =	ssyncadd.tile.s32 @!p0 $0x1;
	_ =	shalt  }
.Lfunc_end2:
_tile_overlayer_lowered:
.L_overlay_start_2:
0x129: {  	(tag) =	ssettag $0x2  }
0x12a: {  	s0 =	rddreg [dreg:$0x0];
	s2 =	stileid.u32  }
0x12b: {  	s1 =	rddreg [dreg:$0x1];
	p0 =	sne.s32 s2, $0x0  }
0x12c: {  	s3 =	rddreg [dreg:$0x2];
	[bflag:$0x3] =	sbarrier.arrive $0xFFFF;
	s2 =	simm.s32 @!p0 $0x1C07  }
0x12d: {  	[timem:s3], [sflag:s2] =	dma.local @!p0 [hbm:s0], s1  }
0x12e: {  	s0 =	simm.s32 @!p0 $0x7  }
0x12f: {  	_ =	swait.ge @!p0 [sflag:s0], s1  }
0x130: {  	s1 =	ssub.s32 @!p0 $0x0, s1;
	[sflag:s0] =	ssyncset.done @!p0 $0x0  }
0x131: {  	[sflag:s0] =	ssyncadd.s32 @!p0 s1  }
0x132: {  	[bflag:$0x3] =	sbarrier.arrive $0xFFFF  }
0x133: {  	_ =	shalt  }

</sc_bundles>
